<compile_context>
chip_gen: v7x
topology: tpu7x:2x2x1
jax: 0.10.2.dev20260603
libtpu: 0.0.44.dev20260713+nightly
codegen_flags: <defaults>
</compile_context>

<pallas_src>
import functools

import jax
import jax.numpy as jnp
from jax import lax
from jax.experimental import pallas as pl
from jax.experimental.pallas import tpu as pltpu, tpu_sc as plsc

_BATCH = 4
_SEQ = 8192
_D = 64

_NC = 2
_NS = 16
_NW = _NC * _NS

_NDC = 8
_DC = _D // _NDC
_NLQ = _NW // _NDC
_LQ = _SEQ // _NLQ
_NV = (_DC * _LQ) // 16


def _pos_add_body(x_hbm, tab_hbm, out_hbm, buf0, buf1, buf2, buf3, buft,
                  semt, sx0, sx1, sx2, sx3, sh0, sh1, sh2, sh3,
                  so0, so1, so2, so3):
    wid = lax.axis_index("s") * _NC + lax.axis_index("c")
    dc0 = (wid // _NLQ) * _DC
    l0 = (wid % _NLQ) * _LQ

    bufs = (buf0, buf1, buf2, buf3)
    sx = (sx0, sx1, sx2, sx3)
    sh = (sh0, sh1, sh2, sh3)
    so = (so0, so1, so2, so3)

    def xsl(b):
        return x_hbm.at[b, pl.ds(dc0, _DC), pl.ds(l0, _LQ)]

    def osl(b):
        return out_hbm.at[b, pl.ds(dc0, _DC), pl.ds(l0, _LQ)]

    _HV = _NV // 2
    _HL = _LQ // 2

    def xsl_h(b, h):
        return x_hbm.at[b, pl.ds(dc0, _DC), pl.ds(l0 + h * _HL, _HL)]

    def buf_h(cur, h):
        return cur.at[pl.ds(0, _DC), pl.ds(h * _HL, _HL)]

    def start_in(b):
        pltpu.async_copy(xsl_h(b, 0), buf_h(bufs[b], 0), sx[b])
        pltpu.async_copy(xsl_h(b, 1), buf_h(bufs[b], 1), sh[b])

    def wait_in(b, h):
        sem = sx[b] if h == 0 else sh[b]
        pltpu.make_async_copy(xsl_h(b, h), buf_h(bufs[b], h), sem).wait()

    def add_half(cur, h):
        @plsc.parallel_loop(0, _HV, unroll=16)
        def _add(i):
            r = i // (_HL // 16)
            s = pl.ds((i % (_HL // 16)) * 16 + h * _HL, 16)
            plsc.addupdate(cur.at[r, s], buft[r, s])

    def out_half(cur, b, h):
        pltpu.async_copy(
            cur.at[pl.ds(0, _DC), pl.ds(h * _HL, _HL)],
            out_hbm.at[b, pl.ds(dc0, _DC), pl.ds(l0 + h * _HL, _HL)],
            so[b])

    def process(cur, b):
        for h in range(2):
            wait_in(b, h)
            add_half(cur, h)
            out_half(cur, b, h)

    def drain_out(cur, b):
        pltpu.make_async_copy(cur, osl(b), so[b]).wait()

    ct = pltpu.async_copy(tab_hbm.at[pl.ds(dc0, _DC), pl.ds(l0, _LQ)],
                          buft, semt)
    start_in(0)
    start_in(1)
    ct.wait()

    start_in(2)
    process(bufs[0], 0)
    start_in(3)
    process(bufs[1], 1)
    process(bufs[2], 2)
    process(bufs[3], 3)

    for b in range(_BATCH):
        drain_out(bufs[b], b)


def _make_pos_add(interpret=False):
    return functools.partial(
        pl.kernel,
        out_type=jax.ShapeDtypeStruct((_BATCH, _D, _SEQ), jnp.float32),
        mesh=plsc.VectorSubcoreMesh(core_axis_name="c", subcore_axis_name="s"),
        scratch_types=(
            [pltpu.VMEM((_DC, _LQ), jnp.float32)] * 5
            + [pltpu.SemaphoreType.DMA] * 13
        ),
        interpret=interpret,
    )(_pos_add_body)


_pos_add = _make_pos_add()


def kernel(x, pos_emb_table):
    xt = jnp.transpose(x, (0, 2, 1))
    tabt = jnp.transpose(pos_emb_table)
    outt = _pos_add(xt, tabt)
    return jnp.transpose(outt, (0, 2, 1))

# --- scband reference (transcript-rebuilt; emitter-appended) ---
"""Pipeline reference for scband-position-embedding-240518168805 (READ-ONLY COPY).

The authoritative reference and input builder live on the scoring server;
editing this copy changes nothing except your own understanding.
"""

import jax, jax.numpy as jnp
import numpy as np

MAXLEN = 10000
EMBED_DIM = 64
BATCH = 4
SEQ_LEN = 8192


def setup_inputs(seed: int = 0) -> dict:
    key = jax.random.key(seed)
    k1, k2 = jax.random.split(key)
    x = jax.random.normal(k1, (BATCH, SEQ_LEN, EMBED_DIM), dtype=jnp.float32)
    # Embedding table (keras Embedding default: uniform init)
    pos_emb_table = jax.random.uniform(k2, (MAXLEN, EMBED_DIM), dtype=jnp.float32, minval=-0.05, maxval=0.05)
    return {"x": x, "pos_emb_table": pos_emb_table}


def reference(x, pos_emb_table):
    seq_len = x.shape[1]
    positions = jnp.arange(seq_len)
    pos_encoding = jnp.take(pos_emb_table, positions, axis=0)  # [L, D]
    return x + pos_encoding[None, :, :]

if __name__ == "__main__":
    import jax
    _d = setup_inputs()
    print(jax.jit(kernel)(*tuple(_d.values())))

</pallas_src>

<mosaic_0001>
#map = affine_map<(d0, d1) -> (0, 0, 0)>
#map1 = affine_map<(d0, d1) -> (0, 0)>
module attributes {stable_mosaic.version = 14 : i64} {
  func.func @_pos_add_body(%arg0: i32, %arg1: i32, %arg2: memref<4x64x8192xf32, #tpu.memory_space<hbm>>, %arg3: memref<64x10000xf32, #tpu.memory_space<hbm>>, %arg4: memref<4x64x8192xf32, #tpu.memory_space<hbm>>, %arg5: memref<8x2048xf32, #tpu.memory_space<vmem>>, %arg6: memref<8x2048xf32, #tpu.memory_space<vmem>>, %arg7: memref<8x2048xf32, #tpu.memory_space<vmem>>, %arg8: memref<8x2048xf32, #tpu.memory_space<vmem>>, %arg9: memref<8x2048xf32, #tpu.memory_space<vmem>>, %arg10: memref<!tpu.dma_semaphore, #tpu.memory_space<semaphore_mem>>, %arg11: memref<!tpu.dma_semaphore, #tpu.memory_space<semaphore_mem>>, %arg12: memref<!tpu.dma_semaphore, #tpu.memory_space<semaphore_mem>>, %arg13: memref<!tpu.dma_semaphore, #tpu.memory_space<semaphore_mem>>, %arg14: memref<!tpu.dma_semaphore, #tpu.memory_space<semaphore_mem>>, %arg15: memref<!tpu.dma_semaphore, #tpu.memory_space<semaphore_mem>>, %arg16: memref<!tpu.dma_semaphore, #tpu.memory_space<semaphore_mem>>, %arg17: memref<!tpu.dma_semaphore, #tpu.memory_space<semaphore_mem>>, %arg18: memref<!tpu.dma_semaphore, #tpu.memory_space<semaphore_mem>>, %arg19: memref<!tpu.dma_semaphore, #tpu.memory_space<semaphore_mem>>, %arg20: memref<!tpu.dma_semaphore, #tpu.memory_space<semaphore_mem>>, %arg21: memref<!tpu.dma_semaphore, #tpu.memory_space<semaphore_mem>>, %arg22: memref<!tpu.dma_semaphore, #tpu.memory_space<semaphore_mem>>) attributes {dimension_semantics = [#tpu.dimension_semantics<core_parallel>, #tpu.dimension_semantics<subcore_parallel>], iteration_bounds = array<i64: 2, 16>, scalar_prefetch = 0 : i64, scratch_operands = 18 : i64, tpu.core_type = #tpu.core_type<sc_vector_subcore>, window_params = [{transform_indices = #map}, {transform_indices = #map1}, {transform_indices = #map}]} {
    %mul3A = arith.constant 2 : i32
    %mul3A_0 = arith.muli %arg1, %mul3A : i32
    %add3A = arith.addi %mul3A_0, %arg0 : i32
    %jit3A = arith.constant 4 : i32
    %div3A = arith.divsi %add3A, %jit3A : i32
    %sign3A = arith.constant 0 : i32
    %sign3A_1 = arith.cmpi sgt, %add3A, %sign3A : i32
    %sign3A_2 = arith.extui %sign3A_1 : i1 to i32
    %sign3A_3 = arith.constant 0 : i32
    %sign3A_4 = arith.cmpi slt, %add3A, %sign3A_3 : i32
    %sign3A_5 = arith.extui %sign3A_4 : i1 to i32
    %sign3A_6 = arith.subi %sign3A_2, %sign3A_5 : i32
    %sign3A_7 = arith.constant 0 : i32
    %sign3A_8 = arith.cmpi sgt, %jit3A, %sign3A_7 : i32
    %sign3A_9 = arith.extui %sign3A_8 : i1 to i32
    %sign3A_10 = arith.constant 0 : i32
    %sign3A_11 = arith.cmpi slt, %jit3A, %sign3A_10 : i32
    %sign3A_12 = arith.extui %sign3A_11 : i1 to i32
    %sign3A_13 = arith.subi %sign3A_9, %sign3A_12 : i32
    %ne3A = arith.cmpi ne, %sign3A_6, %sign3A_13 : i32
    %rem3A = arith.remsi %add3A, %jit3A : i32
    %ne3A_14 = arith.constant 0 : i32
    %ne3A_15 = arith.cmpi ne, %rem3A, %ne3A_14 : i32
    %and3A = arith.andi %ne3A, %ne3A_15 : i1
    %sub3A = arith.constant 1 : i32
    %sub3A_16 = arith.subi %div3A, %sub3A : i32
    %select_n3A = arith.select %and3A, %sub3A_16, %div3A : i32
    %mul3A_17 = arith.constant 8 : i32
    %mul3A_18 = arith.muli %select_n3A, %mul3A_17 : i32
    %jit3A_19 = arith.constant 4 : i32
    %eq3A = arith.constant 0 : i32
    %eq3A_20 = arith.cmpi eq, %jit3A_19, %eq3A : i32
    %jit3A_21 = arith.constant 1 : i32
    %select_n3A_22 = arith.select %eq3A_20, %jit3A_21, %jit3A_19 : i32
    %rem3A_23 = arith.remsi %add3A, %select_n3A_22 : i32
    %ne3A_24 = arith.constant 0 : i32
    %ne3A_25 = arith.cmpi ne, %rem3A_23, %ne3A_24 : i32
    %lt3A = arith.constant 0 : i32
    %lt3A_26 = arith.cmpi slt, %rem3A_23, %lt3A : i32
    %lt3A_27 = arith.constant 0 : i32
    %lt3A_28 = arith.cmpi slt, %select_n3A_22, %lt3A_27 : i32
    %ne3A_29 = arith.xori %lt3A_26, %lt3A_28 : i1
    %and3A_30 = arith.andi %ne3A_29, %ne3A_25 : i1
    %add3A_31 = arith.addi %rem3A_23, %select_n3A_22 : i32
    %select_n3A_32 = arith.select %and3A_30, %add3A_31, %rem3A_23 : i32
    %mul3A_33 = arith.constant 2048 : i32
    %mul3A_34 = arith.muli %select_n3A_32, %mul3A_33 : i32
    %dma_start3A = tpu.memref_slice %arg3[%mul3A_18, %mul3A_34] : memref<64x10000xf32, #tpu.memory_space<hbm>> -> memref<8x2048xf32, #tpu.memory_space<hbm>>
    %dma_start3A_35 = tpu.memref_slice %arg3[%mul3A_18, %mul3A_34] : memref<64x10000xf32, #tpu.memory_space<hbm>> -> memref<8x2048xf32, #tpu.memory_space<hbm>>
    tpu.enqueue_dma source(%dma_start3A_35 : memref<8x2048xf32, #tpu.memory_space<hbm>>) target(%arg9 : memref<8x2048xf32, #tpu.memory_space<vmem>>) target_semaphore(%arg10 : memref<!tpu.dma_semaphore, #tpu.memory_space<semaphore_mem>>)
    %add3A_36 = arith.constant 0 : i32
    %add3A_37 = arith.addi %mul3A_34, %add3A_36 : i32
    %dma_start3A_38 = arith.constant 0 : i32
    %dma_start3A_39 = arith.constant 0 : i32
    %dma_start3A_40 = arith.constant 0 : i32
    %dma_start3A_41 = tpu.memref_slice %arg5[%dma_start3A_39, %dma_start3A_40] : memref<8x2048xf32, #tpu.memory_space<vmem>> -> memref<8x1024xf32, #tpu.memory_space<vmem>>
    %dma_start3A_42 = tpu.memref_slice %arg2[%dma_start3A_38, %mul3A_18, %add3A_37] : memref<4x64x8192xf32, #tpu.memory_space<hbm>> -> memref<1x8x1024xf32, #tpu.memory_space<hbm>>
    %dma_start3A_43 = tpu.memref_squeeze %dma_start3A_42 : memref<1x8x1024xf32, #tpu.memory_space<hbm>> -> memref<8x1024xf32, #tpu.memory_space<hbm>>
    %dma_start3A_44 = arith.constant 0 : i32
    %dma_start3A_45 = arith.constant 0 : i32
    %dma_start3A_46 = tpu.memref_slice %arg5[%dma_start3A_44, %dma_start3A_45] : memref<8x2048xf32, #tpu.memory_space<vmem>> -> memref<8x1024xf32, #tpu.memory_space<vmem>>
    %dma_start3A_47 = tpu.memref_slice %arg2[%dma_start3A_38, %mul3A_18, %add3A_37] : memref<4x64x8192xf32, #tpu.memory_space<hbm>> -> memref<1x8x1024xf32, #tpu.memory_space<hbm>>
    %dma_start3A_48 = tpu.memref_squeeze %dma_start3A_47 : memref<1x8x1024xf32, #tpu.memory_space<hbm>> -> memref<8x1024xf32, #tpu.memory_space<hbm>>
    tpu.enqueue_dma source(%dma_start3A_48 : memref<8x1024xf32, #tpu.memory_space<hbm>>) target(%dma_start3A_46 : memref<8x1024xf32, #tpu.memory_space<vmem>>) target_semaphore(%arg11 : memref<!tpu.dma_semaphore, #tpu.memory_space<semaphore_mem>>)
    %add3A_49 = arith.constant 1024 : i32
    %add3A_50 = arith.addi %mul3A_34, %add3A_49 : i32
    %dma_start3A_51 = arith.constant 0 : i32
    %dma_start3A_52 = arith.constant 0 : i32
    %dma_start3A_53 = arith.constant 1024 : i32
    %dma_start3A_54 = tpu.memref_slice %arg5[%dma_start3A_52, %dma_start3A_53] : memref<8x2048xf32, #tpu.memory_space<vmem>> -> memref<8x1024xf32, #tpu.memory_space<vmem>>
    %dma_start3A_55 = tpu.memref_slice %arg2[%dma_start3A_51, %mul3A_18, %add3A_50] : memref<4x64x8192xf32, #tpu.memory_space<hbm>> -> memref<1x8x1024xf32, #tpu.memory_space<hbm>>
    %dma_start3A_56 = tpu.memref_squeeze %dma_start3A_55 : memref<1x8x1024xf32, #tpu.memory_space<hbm>> -> memref<8x1024xf32, #tpu.memory_space<hbm>>
    %dma_start3A_57 = arith.constant 0 : i32
    %dma_start3A_58 = arith.constant 1024 : i32
    %dma_start3A_59 = tpu.memref_slice %arg5[%dma_start3A_57, %dma_start3A_58] : memref<8x2048xf32, #tpu.memory_space<vmem>> -> memref<8x1024xf32, #tpu.memory_space<vmem>>
    %dma_start3A_60 = tpu.memref_slice %arg2[%dma_start3A_51, %mul3A_18, %add3A_50] : memref<4x64x8192xf32, #tpu.memory_space<hbm>> -> memref<1x8x1024xf32, #tpu.memory_space<hbm>>
    %dma_start3A_61 = tpu.memref_squeeze %dma_start3A_60 : memref<1x8x1024xf32, #tpu.memory_space<hbm>> -> memref<8x1024xf32, #tpu.memory_space<hbm>>
    tpu.enqueue_dma source(%dma_start3A_61 : memref<8x1024xf32, #tpu.memory_space<hbm>>) target(%dma_start3A_59 : memref<8x1024xf32, #tpu.memory_space<vmem>>) target_semaphore(%arg15 : memref<!tpu.dma_semaphore, #tpu.memory_space<semaphore_mem>>)
    %add3A_62 = arith.constant 0 : i32
    %add3A_63 = arith.addi %mul3A_34, %add3A_62 : i32
    %dma_start3A_64 = arith.constant 1 : i32
    %dma_start3A_65 = arith.constant 0 : i32
    %dma_start3A_66 = arith.constant 0 : i32
    %dma_start3A_67 = tpu.memref_slice %arg6[%dma_start3A_65, %dma_start3A_66] : memref<8x2048xf32, #tpu.memory_space<vmem>> -> memref<8x1024xf32, #tpu.memory_space<vmem>>
    %dma_start3A_68 = tpu.memref_slice %arg2[%dma_start3A_64, %mul3A_18, %add3A_63] : memref<4x64x8192xf32, #tpu.memory_space<hbm>> -> memref<1x8x1024xf32, #tpu.memory_space<hbm>>
    %dma_start3A_69 = tpu.memref_squeeze %dma_start3A_68 : memref<1x8x1024xf32, #tpu.memory_space<hbm>> -> memref<8x1024xf32, #tpu.memory_space<hbm>>
    %dma_start3A_70 = arith.constant 0 : i32
    %dma_start3A_71 = arith.constant 0 : i32
    %dma_start3A_72 = tpu.memref_slice %arg6[%dma_start3A_70, %dma_start3A_71] : memref<8x2048xf32, #tpu.memory_space<vmem>> -> memref<8x1024xf32, #tpu.memory_space<vmem>>
    %dma_start3A_73 = tpu.memref_slice %arg2[%dma_start3A_64, %mul3A_18, %add3A_63] : memref<4x64x8192xf32, #tpu.memory_space<hbm>> -> memref<1x8x1024xf32, #tpu.memory_space<hbm>>
    %dma_start3A_74 = tpu.memref_squeeze %dma_start3A_73 : memref<1x8x1024xf32, #tpu.memory_space<hbm>> -> memref<8x1024xf32, #tpu.memory_space<hbm>>
    tpu.enqueue_dma source(%dma_start3A_74 : memref<8x1024xf32, #tpu.memory_space<hbm>>) target(%dma_start3A_72 : memref<8x1024xf32, #tpu.memory_space<vmem>>) target_semaphore(%arg12 : memref<!tpu.dma_semaphore, #tpu.memory_space<semaphore_mem>>)
    %add3A_75 = arith.constant 1024 : i32
    %add3A_76 = arith.addi %mul3A_34, %add3A_75 : i32
    %dma_start3A_77 = arith.constant 1 : i32
    %dma_start3A_78 = arith.constant 0 : i32
    %dma_start3A_79 = arith.constant 1024 : i32
    %dma_start3A_80 = tpu.memref_slice %arg6[%dma_start3A_78, %dma_start3A_79] : memref<8x2048xf32, #tpu.memory_space<vmem>> -> memref<8x1024xf32, #tpu.memory_space<vmem>>
    %dma_start3A_81 = tpu.memref_slice %arg2[%dma_start3A_77, %mul3A_18, %add3A_76] : memref<4x64x8192xf32, #tpu.memory_space<hbm>> -> memref<1x8x1024xf32, #tpu.memory_space<hbm>>
    %dma_start3A_82 = tpu.memref_squeeze %dma_start3A_81 : memref<1x8x1024xf32, #tpu.memory_space<hbm>> -> memref<8x1024xf32, #tpu.memory_space<hbm>>
    %dma_start3A_83 = arith.constant 0 : i32
    %dma_start3A_84 = arith.constant 1024 : i32
    %dma_start3A_85 = tpu.memref_slice %arg6[%dma_start3A_83, %dma_start3A_84] : memref<8x2048xf32, #tpu.memory_space<vmem>> -> memref<8x1024xf32, #tpu.memory_space<vmem>>
    %dma_start3A_86 = tpu.memref_slice %arg2[%dma_start3A_77, %mul3A_18, %add3A_76] : memref<4x64x8192xf32, #tpu.memory_space<hbm>> -> memref<1x8x1024xf32, #tpu.memory_space<hbm>>
    %dma_start3A_87 = tpu.memref_squeeze %dma_start3A_86 : memref<1x8x1024xf32, #tpu.memory_space<hbm>> -> memref<8x1024xf32, #tpu.memory_space<hbm>>
    tpu.enqueue_dma source(%dma_start3A_87 : memref<8x1024xf32, #tpu.memory_space<hbm>>) target(%dma_start3A_85 : memref<8x1024xf32, #tpu.memory_space<vmem>>) target_semaphore(%arg16 : memref<!tpu.dma_semaphore, #tpu.memory_space<semaphore_mem>>)
    %dma_wait3A = tpu.memref_slice %arg3[%mul3A_18, %mul3A_34] : memref<64x10000xf32, #tpu.memory_space<hbm>> -> memref<8x2048xf32, #tpu.memory_space<hbm>>
    %dma_wait3A_88 = tpu.memref_slice %arg3[%mul3A_18, %mul3A_34] : memref<64x10000xf32, #tpu.memory_space<hbm>> -> memref<8x2048xf32, #tpu.memory_space<hbm>>
    tpu.wait_dma2 semaphore(%arg10 : memref<!tpu.dma_semaphore, #tpu.memory_space<semaphore_mem>>) src(%dma_wait3A_88 : memref<8x2048xf32, #tpu.memory_space<hbm>>) dst(%arg9 : memref<8x2048xf32, #tpu.memory_space<vmem>>)
    %add3A_89 = arith.constant 0 : i32
    %add3A_90 = arith.addi %mul3A_34, %add3A_89 : i32
    %dma_start3A_91 = arith.constant 2 : i32
    %dma_start3A_92 = arith.constant 0 : i32
    %dma_start3A_93 = arith.constant 0 : i32
    %dma_start3A_94 = tpu.memref_slice %arg7[%dma_start3A_92, %dma_start3A_93] : memref<8x2048xf32, #tpu.memory_space<vmem>> -> memref<8x1024xf32, #tpu.memory_space<vmem>>
    %dma_start3A_95 = tpu.memref_slice %arg2[%dma_start3A_91, %mul3A_18, %add3A_90] : memref<4x64x8192xf32, #tpu.memory_space<hbm>> -> memref<1x8x1024xf32, #tpu.memory_space<hbm>>
    %dma_start3A_96 = tpu.memref_squeeze %dma_start3A_95 : memref<1x8x1024xf32, #tpu.memory_space<hbm>> -> memref<8x1024xf32, #tpu.memory_space<hbm>>
    %dma_start3A_97 = arith.constant 0 : i32
    %dma_start3A_98 = arith.constant 0 : i32
    %dma_start3A_99 = tpu.memref_slice %arg7[%dma_start3A_97, %dma_start3A_98] : memref<8x2048xf32, #tpu.memory_space<vmem>> -> memref<8x1024xf32, #tpu.memory_space<vmem>>
    %dma_start3A_100 = tpu.memref_slice %arg2[%dma_start3A_91, %mul3A_18, %add3A_90] : memref<4x64x8192xf32, #tpu.memory_space<hbm>> -> memref<1x8x1024xf32, #tpu.memory_space<hbm>>
    %dma_start3A_101 = tpu.memref_squeeze %dma_start3A_100 : memref<1x8x1024xf32, #tpu.memory_space<hbm>> -> memref<8x1024xf32, #tpu.memory_space<hbm>>
    tpu.enqueue_dma source(%dma_start3A_101 : memref<8x1024xf32, #tpu.memory_space<hbm>>) target(%dma_start3A_99 : memref<8x1024xf32, #tpu.memory_space<vmem>>) target_semaphore(%arg13 : memref<!tpu.dma_semaphore, #tpu.memory_space<semaphore_mem>>)
    %add3A_102 = arith.constant 1024 : i32
    %add3A_103 = arith.addi %mul3A_34, %add3A_102 : i32
    %dma_start3A_104 = arith.constant 2 : i32
    %dma_start3A_105 = arith.constant 0 : i32
    %dma_start3A_106 = arith.constant 1024 : i32
    %dma_start3A_107 = tpu.memref_slice %arg7[%dma_start3A_105, %dma_start3A_106] : memref<8x2048xf32, #tpu.memory_space<vmem>> -> memref<8x1024xf32, #tpu.memory_space<vmem>>
    %dma_start3A_108 = tpu.memref_slice %arg2[%dma_start3A_104, %mul3A_18, %add3A_103] : memref<4x64x8192xf32, #tpu.memory_space<hbm>> -> memref<1x8x1024xf32, #tpu.memory_space<hbm>>
    %dma_start3A_109 = tpu.memref_squeeze %dma_start3A_108 : memref<1x8x1024xf32, #tpu.memory_space<hbm>> -> memref<8x1024xf32, #tpu.memory_space<hbm>>
    %dma_start3A_110 = arith.constant 0 : i32
    %dma_start3A_111 = arith.constant 1024 : i32
    %dma_start3A_112 = tpu.memref_slice %arg7[%dma_start3A_110, %dma_start3A_111] : memref<8x2048xf32, #tpu.memory_space<vmem>> -> memref<8x1024xf32, #tpu.memory_space<vmem>>
    %dma_start3A_113 = tpu.memref_slice %arg2[%dma_start3A_104, %mul3A_18, %add3A_103] : memref<4x64x8192xf32, #tpu.memory_space<hbm>> -> memref<1x8x1024xf32, #tpu.memory_space<hbm>>
    %dma_start3A_114 = tpu.memref_squeeze %dma_start3A_113 : memref<1x8x1024xf32, #tpu.memory_space<hbm>> -> memref<8x1024xf32, #tpu.memory_space<hbm>>
    tpu.enqueue_dma source(%dma_start3A_114 : memref<8x1024xf32, #tpu.memory_space<hbm>>) target(%dma_start3A_112 : memref<8x1024xf32, #tpu.memory_space<vmem>>) target_semaphore(%arg17 : memref<!tpu.dma_semaphore, #tpu.memory_space<semaphore_mem>>)
    %add3A_115 = arith.constant 0 : i32
    %add3A_116 = arith.addi %mul3A_34, %add3A_115 : i32
    %dma_wait3A_117 = arith.constant 0 : i32
    %dma_wait3A_118 = arith.constant 0 : i32
    %dma_wait3A_119 = arith.constant 0 : i32
    %dma_wait3A_120 = tpu.memref_slice %arg5[%dma_wait3A_118, %dma_wait3A_119] : memref<8x2048xf32, #tpu.memory_space<vmem>> -> memref<8x1024xf32, #tpu.memory_space<vmem>>
    %dma_wait3A_121 = tpu.memref_slice %arg2[%dma_wait3A_117, %mul3A_18, %add3A_116] : memref<4x64x8192xf32, #tpu.memory_space<hbm>> -> memref<1x8x1024xf32, #tpu.memory_space<hbm>>
    %dma_wait3A_122 = tpu.memref_squeeze %dma_wait3A_121 : memref<1x8x1024xf32, #tpu.memory_space<hbm>> -> memref<8x1024xf32, #tpu.memory_space<hbm>>
    %dma_wait3A_123 = arith.constant 0 : i32
    %dma_wait3A_124 = arith.constant 0 : i32
    %dma_wait3A_125 = tpu.memref_slice %arg5[%dma_wait3A_123, %dma_wait3A_124] : memref<8x2048xf32, #tpu.memory_space<vmem>> -> memref<8x1024xf32, #tpu.memory_space<vmem>>
    %dma_wait3A_126 = tpu.memref_slice %arg2[%dma_wait3A_117, %mul3A_18, %add3A_116] : memref<4x64x8192xf32, #tpu.memory_space<hbm>> -> memref<1x8x1024xf32, #tpu.memory_space<hbm>>
    %dma_wait3A_127 = tpu.memref_squeeze %dma_wait3A_126 : memref<1x8x1024xf32, #tpu.memory_space<hbm>> -> memref<8x1024xf32, #tpu.memory_space<hbm>>
    tpu.wait_dma2 semaphore(%arg11 : memref<!tpu.dma_semaphore, #tpu.memory_space<semaphore_mem>>) src(%dma_wait3A_127 : memref<8x1024xf32, #tpu.memory_space<hbm>>) dst(%dma_wait3A_125 : memref<8x1024xf32, #tpu.memory_space<vmem>>)
    %parallel_loop3A = arith.constant 0 : i32
    %parallel_loop3A_128 = arith.constant 512 : i32
    %parallel_loop3A_129 = arith.constant 1 : i32
    scf.for %parallel_loop3A_392 = %parallel_loop3A to %parallel_loop3A_128 step %parallel_loop3A_129  : i32 {
      %parallel_loop3A_393 = arith.constant 64 : i32
      %parallel_loop3A_394 = arith.divsi %parallel_loop3A_392, %parallel_loop3A_393 : i32
      %parallel_loop3A_395 = arith.constant 0 : i32
      %parallel_loop3A_396 = arith.cmpi sgt, %parallel_loop3A_392, %parallel_loop3A_395 : i32
      %parallel_loop3A_397 = arith.extui %parallel_loop3A_396 : i1 to i32
      %parallel_loop3A_398 = arith.constant 0 : i32
      %parallel_loop3A_399 = arith.cmpi slt, %parallel_loop3A_392, %parallel_loop3A_398 : i32
      %parallel_loop3A_400 = arith.extui %parallel_loop3A_399 : i1 to i32
      %parallel_loop3A_401 = arith.subi %parallel_loop3A_397, %parallel_loop3A_400 : i32
      %parallel_loop3A_402 = arith.constant 0 : i32
      %parallel_loop3A_403 = arith.cmpi sgt, %parallel_loop3A_393, %parallel_loop3A_402 : i32
      %parallel_loop3A_404 = arith.extui %parallel_loop3A_403 : i1 to i32
      %parallel_loop3A_405 = arith.constant 0 : i32
      %parallel_loop3A_406 = arith.cmpi slt, %parallel_loop3A_393, %parallel_loop3A_405 : i32
      %parallel_loop3A_407 = arith.extui %parallel_loop3A_406 : i1 to i32
      %parallel_loop3A_408 = arith.subi %parallel_loop3A_404, %parallel_loop3A_407 : i32
      %parallel_loop3A_409 = arith.cmpi ne, %parallel_loop3A_401, %parallel_loop3A_408 : i32
      %parallel_loop3A_410 = arith.remsi %parallel_loop3A_392, %parallel_loop3A_393 : i32
      %parallel_loop3A_411 = arith.constant 0 : i32
      %parallel_loop3A_412 = arith.cmpi ne, %parallel_loop3A_410, %parallel_loop3A_411 : i32
      %parallel_loop3A_413 = arith.andi %parallel_loop3A_409, %parallel_loop3A_412 : i1
      %parallel_loop3A_414 = arith.constant 1 : i32
      %parallel_loop3A_415 = arith.subi %parallel_loop3A_394, %parallel_loop3A_414 : i32
      %parallel_loop3A_416 = arith.select %parallel_loop3A_413, %parallel_loop3A_415, %parallel_loop3A_394 : i32
      %parallel_loop3A_417 = arith.constant 64 : i32
      %parallel_loop3A_418 = arith.constant 0 : i32
      %parallel_loop3A_419 = arith.cmpi eq, %parallel_loop3A_417, %parallel_loop3A_418 : i32
      %parallel_loop3A_420 = arith.constant 1 : i32
      %parallel_loop3A_421 = arith.select %parallel_loop3A_419, %parallel_loop3A_420, %parallel_loop3A_417 : i32
      %parallel_loop3A_422 = arith.remsi %parallel_loop3A_392, %parallel_loop3A_421 : i32
      %parallel_loop3A_423 = arith.constant 0 : i32
      %parallel_loop3A_424 = arith.cmpi ne, %parallel_loop3A_422, %parallel_loop3A_423 : i32
      %parallel_loop3A_425 = arith.constant 0 : i32
      %parallel_loop3A_426 = arith.cmpi slt, %parallel_loop3A_422, %parallel_loop3A_425 : i32
      %parallel_loop3A_427 = arith.constant 0 : i32
      %parallel_loop3A_428 = arith.cmpi slt, %parallel_loop3A_421, %parallel_loop3A_427 : i32
      %parallel_loop3A_429 = arith.xori %parallel_loop3A_426, %parallel_loop3A_428 : i1
      %parallel_loop3A_430 = arith.andi %parallel_loop3A_429, %parallel_loop3A_424 : i1
      %parallel_loop3A_431 = arith.addi %parallel_loop3A_422, %parallel_loop3A_421 : i32
      %parallel_loop3A_432 = arith.select %parallel_loop3A_430, %parallel_loop3A_431, %parallel_loop3A_422 : i32
      %parallel_loop3A_433 = arith.constant 16 : i32
      %parallel_loop3A_434 = arith.muli %parallel_loop3A_432, %parallel_loop3A_433 : i32
      %parallel_loop3A_435 = arith.constant 0 : i32
      %parallel_loop3A_436 = arith.addi %parallel_loop3A_434, %parallel_loop3A_435 : i32
      %parallel_loop3A_437 = arith.index_cast %parallel_loop3A_416 : i32 to index
      %parallel_loop3A_438 = arith.index_cast %parallel_loop3A_436 : i32 to index
      %parallel_loop3A_439 = tpu.vector_load %arg9[%parallel_loop3A_437, %parallel_loop3A_438] {strides = array<i32>} : memref<8x2048xf32, #tpu.memory_space<vmem>>, vector<1x16xf32>,
      %parallel_loop3A_440 = vector.shape_cast %parallel_loop3A_439 : vector<1x16xf32> to vector<16xf32>
      %parallel_loop3A_441 = arith.index_cast %parallel_loop3A_416 : i32 to index
      %parallel_loop3A_442 = arith.index_cast %parallel_loop3A_436 : i32 to index
      %parallel_loop3A_443 = tpu.vector_load %arg5[%parallel_loop3A_441, %parallel_loop3A_442] {strides = array<i32>} : memref<8x2048xf32, #tpu.memory_space<vmem>>, vector<1x16xf32>,
      %parallel_loop3A_444 = vector.shape_cast %parallel_loop3A_443 : vector<1x16xf32> to vector<16xf32>
      %parallel_loop3A_445 = vector.shape_cast %parallel_loop3A_440 : vector<16xf32> to vector<1x16xf32>
      tpu.vector_store %arg5[%parallel_loop3A_441, %parallel_loop3A_442], %parallel_loop3A_445 {add = true, strides = array<i32>} : memref<8x2048xf32, #tpu.memory_space<vmem>>, vector<1x16xf32>,
    } {sc.loop_unroll_factor = 16 : i64, sc.parallel_access}
    %add3A_130 = arith.constant 0 : i32
    %add3A_131 = arith.addi %mul3A_34, %add3A_130 : i32
    %dma_start3A_132 = arith.constant 0 : i32
    %dma_start3A_133 = arith.constant 0 : i32
    %dma_start3A_134 = arith.constant 0 : i32
    %dma_start3A_135 = tpu.memref_slice %arg5[%dma_start3A_133, %dma_start3A_134] : memref<8x2048xf32, #tpu.memory_space<vmem>> -> memref<8x1024xf32, #tpu.memory_space<vmem>>
    %dma_start3A_136 = tpu.memref_slice %arg4[%dma_start3A_132, %mul3A_18, %add3A_131] : memref<4x64x8192xf32, #tpu.memory_space<hbm>> -> memref<1x8x1024xf32, #tpu.memory_space<hbm>>
    %dma_start3A_137 = tpu.memref_squeeze %dma_start3A_136 : memref<1x8x1024xf32, #tpu.memory_space<hbm>> -> memref<8x1024xf32, #tpu.memory_space<hbm>>
    %dma_start3A_138 = tpu.memref_slice %arg4[%dma_start3A_132, %mul3A_18, %add3A_131] : memref<4x64x8192xf32, #tpu.memory_space<hbm>> -> memref<1x8x1024xf32, #tpu.memory_space<hbm>>
    %dma_start3A_139 = tpu.memref_squeeze %dma_start3A_138 : memref<1x8x1024xf32, #tpu.memory_space<hbm>> -> memref<8x1024xf32, #tpu.memory_space<hbm>>
    %dma_start3A_140 = arith.constant 0 : i32
    %dma_start3A_141 = arith.constant 0 : i32
    %dma_start3A_142 = tpu.memref_slice %arg5[%dma_start3A_140, %dma_start3A_141] : memref<8x2048xf32, #tpu.memory_space<vmem>> -> memref<8x1024xf32, #tpu.memory_space<vmem>>
    tpu.enqueue_dma source(%dma_start3A_142 : memref<8x1024xf32, #tpu.memory_space<vmem>>) target(%dma_start3A_139 : memref<8x1024xf32, #tpu.memory_space<hbm>>) target_semaphore(%arg19 : memref<!tpu.dma_semaphore, #tpu.memory_space<semaphore_mem>>)
    %add3A_143 = arith.constant 1024 : i32
    %add3A_144 = arith.addi %mul3A_34, %add3A_143 : i32
    %dma_wait3A_145 = arith.constant 0 : i32
    %dma_wait3A_146 = arith.constant 0 : i32
    %dma_wait3A_147 = arith.constant 1024 : i32
    %dma_wait3A_148 = tpu.memref_slice %arg5[%dma_wait3A_146, %dma_wait3A_147] : memref<8x2048xf32, #tpu.memory_space<vmem>> -> memref<8x1024xf32, #tpu.memory_space<vmem>>
    %dma_wait3A_149 = tpu.memref_slice %arg2[%dma_wait3A_145, %mul3A_18, %add3A_144] : memref<4x64x8192xf32, #tpu.memory_space<hbm>> -> memref<1x8x1024xf32, #tpu.memory_space<hbm>>
    %dma_wait3A_150 = tpu.memref_squeeze %dma_wait3A_149 : memref<1x8x1024xf32, #tpu.memory_space<hbm>> -> memref<8x1024xf32, #tpu.memory_space<hbm>>
    %dma_wait3A_151 = arith.constant 0 : i32
    %dma_wait3A_152 = arith.constant 1024 : i32
    %dma_wait3A_153 = tpu.memref_slice %arg5[%dma_wait3A_151, %dma_wait3A_152] : memref<8x2048xf32, #tpu.memory_space<vmem>> -> memref<8x1024xf32, #tpu.memory_space<vmem>>
    %dma_wait3A_154 = tpu.memref_slice %arg2[%dma_wait3A_145, %mul3A_18, %add3A_144] : memref<4x64x8192xf32, #tpu.memory_space<hbm>> -> memref<1x8x1024xf32, #tpu.memory_space<hbm>>
    %dma_wait3A_155 = tpu.memref_squeeze %dma_wait3A_154 : memref<1x8x1024xf32, #tpu.memory_space<hbm>> -> memref<8x1024xf32, #tpu.memory_space<hbm>>
    tpu.wait_dma2 semaphore(%arg15 : memref<!tpu.dma_semaphore, #tpu.memory_space<semaphore_mem>>) src(%dma_wait3A_155 : memref<8x1024xf32, #tpu.memory_space<hbm>>) dst(%dma_wait3A_153 : memref<8x1024xf32, #tpu.memory_space<vmem>>)
    %parallel_loop3A_156 = arith.constant 0 : i32
    %parallel_loop3A_157 = arith.constant 512 : i32
    %parallel_loop3A_158 = arith.constant 1 : i32
    scf.for %parallel_loop3A_392 = %parallel_loop3A_156 to %parallel_loop3A_157 step %parallel_loop3A_158  : i32 {
      %parallel_loop3A_393 = arith.constant 64 : i32
      %parallel_loop3A_394 = arith.divsi %parallel_loop3A_392, %parallel_loop3A_393 : i32
      %parallel_loop3A_395 = arith.constant 0 : i32
      %parallel_loop3A_396 = arith.cmpi sgt, %parallel_loop3A_392, %parallel_loop3A_395 : i32
      %parallel_loop3A_397 = arith.extui %parallel_loop3A_396 : i1 to i32
      %parallel_loop3A_398 = arith.constant 0 : i32
      %parallel_loop3A_399 = arith.cmpi slt, %parallel_loop3A_392, %parallel_loop3A_398 : i32
      %parallel_loop3A_400 = arith.extui %parallel_loop3A_399 : i1 to i32
      %parallel_loop3A_401 = arith.subi %parallel_loop3A_397, %parallel_loop3A_400 : i32
      %parallel_loop3A_402 = arith.constant 0 : i32
      %parallel_loop3A_403 = arith.cmpi sgt, %parallel_loop3A_393, %parallel_loop3A_402 : i32
      %parallel_loop3A_404 = arith.extui %parallel_loop3A_403 : i1 to i32
      %parallel_loop3A_405 = arith.constant 0 : i32
      %parallel_loop3A_406 = arith.cmpi slt, %parallel_loop3A_393, %parallel_loop3A_405 : i32
      %parallel_loop3A_407 = arith.extui %parallel_loop3A_406 : i1 to i32
      %parallel_loop3A_408 = arith.subi %parallel_loop3A_404, %parallel_loop3A_407 : i32
      %parallel_loop3A_409 = arith.cmpi ne, %parallel_loop3A_401, %parallel_loop3A_408 : i32
      %parallel_loop3A_410 = arith.remsi %parallel_loop3A_392, %parallel_loop3A_393 : i32
      %parallel_loop3A_411 = arith.constant 0 : i32
      %parallel_loop3A_412 = arith.cmpi ne, %parallel_loop3A_410, %parallel_loop3A_411 : i32
      %parallel_loop3A_413 = arith.andi %parallel_loop3A_409, %parallel_loop3A_412 : i1
      %parallel_loop3A_414 = arith.constant 1 : i32
      %parallel_loop3A_415 = arith.subi %parallel_loop3A_394, %parallel_loop3A_414 : i32
      %parallel_loop3A_416 = arith.select %parallel_loop3A_413, %parallel_loop3A_415, %parallel_loop3A_394 : i32
      %parallel_loop3A_417 = arith.constant 64 : i32
      %parallel_loop3A_418 = arith.constant 0 : i32
      %parallel_loop3A_419 = arith.cmpi eq, %parallel_loop3A_417, %parallel_loop3A_418 : i32
      %parallel_loop3A_420 = arith.constant 1 : i32
      %parallel_loop3A_421 = arith.select %parallel_loop3A_419, %parallel_loop3A_420, %parallel_loop3A_417 : i32
      %parallel_loop3A_422 = arith.remsi %parallel_loop3A_392, %parallel_loop3A_421 : i32
      %parallel_loop3A_423 = arith.constant 0 : i32
      %parallel_loop3A_424 = arith.cmpi ne, %parallel_loop3A_422, %parallel_loop3A_423 : i32
      %parallel_loop3A_425 = arith.constant 0 : i32
      %parallel_loop3A_426 = arith.cmpi slt, %parallel_loop3A_422, %parallel_loop3A_425 : i32
      %parallel_loop3A_427 = arith.constant 0 : i32
      %parallel_loop3A_428 = arith.cmpi slt, %parallel_loop3A_421, %parallel_loop3A_427 : i32
      %parallel_loop3A_429 = arith.xori %parallel_loop3A_426, %parallel_loop3A_428 : i1
      %parallel_loop3A_430 = arith.andi %parallel_loop3A_429, %parallel_loop3A_424 : i1
      %parallel_loop3A_431 = arith.addi %parallel_loop3A_422, %parallel_loop3A_421 : i32
      %parallel_loop3A_432 = arith.select %parallel_loop3A_430, %parallel_loop3A_431, %parallel_loop3A_422 : i32
      %parallel_loop3A_433 = arith.constant 16 : i32
      %parallel_loop3A_434 = arith.muli %parallel_loop3A_432, %parallel_loop3A_433 : i32
      %parallel_loop3A_435 = arith.constant 1024 : i32
      %parallel_loop3A_436 = arith.addi %parallel_loop3A_434, %parallel_loop3A_435 : i32
      %parallel_loop3A_437 = arith.index_cast %parallel_loop3A_416 : i32 to index
      %parallel_loop3A_438 = arith.index_cast %parallel_loop3A_436 : i32 to index
      %parallel_loop3A_439 = tpu.vector_load %arg9[%parallel_loop3A_437, %parallel_loop3A_438] {strides = array<i32>} : memref<8x2048xf32, #tpu.memory_space<vmem>>, vector<1x16xf32>,
      %parallel_loop3A_440 = vector.shape_cast %parallel_loop3A_439 : vector<1x16xf32> to vector<16xf32>
      %parallel_loop3A_441 = arith.index_cast %parallel_loop3A_416 : i32 to index
      %parallel_loop3A_442 = arith.index_cast %parallel_loop3A_436 : i32 to index
      %parallel_loop3A_443 = tpu.vector_load %arg5[%parallel_loop3A_441, %parallel_loop3A_442] {strides = array<i32>} : memref<8x2048xf32, #tpu.memory_space<vmem>>, vector<1x16xf32>,
      %parallel_loop3A_444 = vector.shape_cast %parallel_loop3A_443 : vector<1x16xf32> to vector<16xf32>
      %parallel_loop3A_445 = vector.shape_cast %parallel_loop3A_440 : vector<16xf32> to vector<1x16xf32>
      tpu.vector_store %arg5[%parallel_loop3A_441, %parallel_loop3A_442], %parallel_loop3A_445 {add = true, strides = array<i32>} : memref<8x2048xf32, #tpu.memory_space<vmem>>, vector<1x16xf32>,
    } {sc.loop_unroll_factor = 16 : i64, sc.parallel_access}
    %add3A_159 = arith.constant 1024 : i32
    %add3A_160 = arith.addi %mul3A_34, %add3A_159 : i32
    %dma_start3A_161 = arith.constant 0 : i32
    %dma_start3A_162 = arith.constant 0 : i32
    %dma_start3A_163 = arith.constant 1024 : i32
    %dma_start3A_164 = tpu.memref_slice %arg5[%dma_start3A_162, %dma_start3A_163] : memref<8x2048xf32, #tpu.memory_space<vmem>> -> memref<8x1024xf32, #tpu.memory_space<vmem>>
    %dma_start3A_165 = tpu.memref_slice %arg4[%dma_start3A_161, %mul3A_18, %add3A_160] : memref<4x64x8192xf32, #tpu.memory_space<hbm>> -> memref<1x8x1024xf32, #tpu.memory_space<hbm>>
    %dma_start3A_166 = tpu.memref_squeeze %dma_start3A_165 : memref<1x8x1024xf32, #tpu.memory_space<hbm>> -> memref<8x1024xf32, #tpu.memory_space<hbm>>
    %dma_start3A_167 = tpu.memref_slice %arg4[%dma_start3A_161, %mul3A_18, %add3A_160] : memref<4x64x8192xf32, #tpu.memory_space<hbm>> -> memref<1x8x1024xf32, #tpu.memory_space<hbm>>
    %dma_start3A_168 = tpu.memref_squeeze %dma_start3A_167 : memref<1x8x1024xf32, #tpu.memory_space<hbm>> -> memref<8x1024xf32, #tpu.memory_space<hbm>>
    %dma_start3A_169 = arith.constant 0 : i32
    %dma_start3A_170 = arith.constant 1024 : i32
    %dma_start3A_171 = tpu.memref_slice %arg5[%dma_start3A_169, %dma_start3A_170] : memref<8x2048xf32, #tpu.memory_space<vmem>> -> memref<8x1024xf32, #tpu.memory_space<vmem>>
    tpu.enqueue_dma source(%dma_start3A_171 : memref<8x1024xf32, #tpu.memory_space<vmem>>) target(%dma_start3A_168 : memref<8x1024xf32, #tpu.memory_space<hbm>>) target_semaphore(%arg19 : memref<!tpu.dma_semaphore, #tpu.memory_space<semaphore_mem>>)
    %add3A_172 = arith.constant 0 : i32
    %add3A_173 = arith.addi %mul3A_34, %add3A_172 : i32
    %dma_start3A_174 = arith.constant 3 : i32
    %dma_start3A_175 = arith.constant 0 : i32
    %dma_start3A_176 = arith.constant 0 : i32
    %dma_start3A_177 = tpu.memref_slice %arg8[%dma_start3A_175, %dma_start3A_176] : memref<8x2048xf32, #tpu.memory_space<vmem>> -> memref<8x1024xf32, #tpu.memory_space<vmem>>
    %dma_start3A_178 = tpu.memref_slice %arg2[%dma_start3A_174, %mul3A_18, %add3A_173] : memref<4x64x8192xf32, #tpu.memory_space<hbm>> -> memref<1x8x1024xf32, #tpu.memory_space<hbm>>
    %dma_start3A_179 = tpu.memref_squeeze %dma_start3A_178 : memref<1x8x1024xf32, #tpu.memory_space<hbm>> -> memref<8x1024xf32, #tpu.memory_space<hbm>>
    %dma_start3A_180 = arith.constant 0 : i32
    %dma_start3A_181 = arith.constant 0 : i32
    %dma_start3A_182 = tpu.memref_slice %arg8[%dma_start3A_180, %dma_start3A_181] : memref<8x2048xf32, #tpu.memory_space<vmem>> -> memref<8x1024xf32, #tpu.memory_space<vmem>>
    %dma_start3A_183 = tpu.memref_slice %arg2[%dma_start3A_174, %mul3A_18, %add3A_173] : memref<4x64x8192xf32, #tpu.memory_space<hbm>> -> memref<1x8x1024xf32, #tpu.memory_space<hbm>>
    %dma_start3A_184 = tpu.memref_squeeze %dma_start3A_183 : memref<1x8x1024xf32, #tpu.memory_space<hbm>> -> memref<8x1024xf32, #tpu.memory_space<hbm>>
    tpu.enqueue_dma source(%dma_start3A_184 : memref<8x1024xf32, #tpu.memory_space<hbm>>) target(%dma_start3A_182 : memref<8x1024xf32, #tpu.memory_space<vmem>>) target_semaphore(%arg14 : memref<!tpu.dma_semaphore, #tpu.memory_space<semaphore_mem>>)
    %add3A_185 = arith.constant 1024 : i32
    %add3A_186 = arith.addi %mul3A_34, %add3A_185 : i32
    %dma_start3A_187 = arith.constant 3 : i32
    %dma_start3A_188 = arith.constant 0 : i32
    %dma_start3A_189 = arith.constant 1024 : i32
    %dma_start3A_190 = tpu.memref_slice %arg8[%dma_start3A_188, %dma_start3A_189] : memref<8x2048xf32, #tpu.memory_space<vmem>> -> memref<8x1024xf32, #tpu.memory_space<vmem>>
    %dma_start3A_191 = tpu.memref_slice %arg2[%dma_start3A_187, %mul3A_18, %add3A_186] : memref<4x64x8192xf32, #tpu.memory_space<hbm>> -> memref<1x8x1024xf32, #tpu.memory_space<hbm>>
    %dma_start3A_192 = tpu.memref_squeeze %dma_start3A_191 : memref<1x8x1024xf32, #tpu.memory_space<hbm>> -> memref<8x1024xf32, #tpu.memory_space<hbm>>
    %dma_start3A_193 = arith.constant 0 : i32
    %dma_start3A_194 = arith.constant 1024 : i32
    %dma_start3A_195 = tpu.memref_slice %arg8[%dma_start3A_193, %dma_start3A_194] : memref<8x2048xf32, #tpu.memory_space<vmem>> -> memref<8x1024xf32, #tpu.memory_space<vmem>>
    %dma_start3A_196 = tpu.memref_slice %arg2[%dma_start3A_187, %mul3A_18, %add3A_186] : memref<4x64x8192xf32, #tpu.memory_space<hbm>> -> memref<1x8x1024xf32, #tpu.memory_space<hbm>>
    %dma_start3A_197 = tpu.memref_squeeze %dma_start3A_196 : memref<1x8x1024xf32, #tpu.memory_space<hbm>> -> memref<8x1024xf32, #tpu.memory_space<hbm>>
    tpu.enqueue_dma source(%dma_start3A_197 : memref<8x1024xf32, #tpu.memory_space<hbm>>) target(%dma_start3A_195 : memref<8x1024xf32, #tpu.memory_space<vmem>>) target_semaphore(%arg18 : memref<!tpu.dma_semaphore, #tpu.memory_space<semaphore_mem>>)
    %add3A_198 = arith.constant 0 : i32
    %add3A_199 = arith.addi %mul3A_34, %add3A_198 : i32
    %dma_wait3A_200 = arith.constant 1 : i32
    %dma_wait3A_201 = arith.constant 0 : i32
    %dma_wait3A_202 = arith.constant 0 : i32
    %dma_wait3A_203 = tpu.memref_slice %arg6[%dma_wait3A_201, %dma_wait3A_202] : memref<8x2048xf32, #tpu.memory_space<vmem>> -> memref<8x1024xf32, #tpu.memory_space<vmem>>
    %dma_wait3A_204 = tpu.memref_slice %arg2[%dma_wait3A_200, %mul3A_18, %add3A_199] : memref<4x64x8192xf32, #tpu.memory_space<hbm>> -> memref<1x8x1024xf32, #tpu.memory_space<hbm>>
    %dma_wait3A_205 = tpu.memref_squeeze %dma_wait3A_204 : memref<1x8x1024xf32, #tpu.memory_space<hbm>> -> memref<8x1024xf32, #tpu.memory_space<hbm>>
    %dma_wait3A_206 = arith.constant 0 : i32
    %dma_wait3A_207 = arith.constant 0 : i32
    %dma_wait3A_208 = tpu.memref_slice %arg6[%dma_wait3A_206, %dma_wait3A_207] : memref<8x2048xf32, #tpu.memory_space<vmem>> -> memref<8x1024xf32, #tpu.memory_space<vmem>>
    %dma_wait3A_209 = tpu.memref_slice %arg2[%dma_wait3A_200, %mul3A_18, %add3A_199] : memref<4x64x8192xf32, #tpu.memory_space<hbm>> -> memref<1x8x1024xf32, #tpu.memory_space<hbm>>
    %dma_wait3A_210 = tpu.memref_squeeze %dma_wait3A_209 : memref<1x8x1024xf32, #tpu.memory_space<hbm>> -> memref<8x1024xf32, #tpu.memory_space<hbm>>
    tpu.wait_dma2 semaphore(%arg12 : memref<!tpu.dma_semaphore, #tpu.memory_space<semaphore_mem>>) src(%dma_wait3A_210 : memref<8x1024xf32, #tpu.memory_space<hbm>>) dst(%dma_wait3A_208 : memref<8x1024xf32, #tpu.memory_space<vmem>>)
    %parallel_loop3A_211 = arith.constant 0 : i32
    %parallel_loop3A_212 = arith.constant 512 : i32
    %parallel_loop3A_213 = arith.constant 1 : i32
    scf.for %parallel_loop3A_392 = %parallel_loop3A_211 to %parallel_loop3A_212 step %parallel_loop3A_213  : i32 {
      %parallel_loop3A_393 = arith.constant 64 : i32
      %parallel_loop3A_394 = arith.divsi %parallel_loop3A_392, %parallel_loop3A_393 : i32
      %parallel_loop3A_395 = arith.constant 0 : i32
      %parallel_loop3A_396 = arith.cmpi sgt, %parallel_loop3A_392, %parallel_loop3A_395 : i32
      %parallel_loop3A_397 = arith.extui %parallel_loop3A_396 : i1 to i32
      %parallel_loop3A_398 = arith.constant 0 : i32
      %parallel_loop3A_399 = arith.cmpi slt, %parallel_loop3A_392, %parallel_loop3A_398 : i32
      %parallel_loop3A_400 = arith.extui %parallel_loop3A_399 : i1 to i32
      %parallel_loop3A_401 = arith.subi %parallel_loop3A_397, %parallel_loop3A_400 : i32
      %parallel_loop3A_402 = arith.constant 0 : i32
      %parallel_loop3A_403 = arith.cmpi sgt, %parallel_loop3A_393, %parallel_loop3A_402 : i32
      %parallel_loop3A_404 = arith.extui %parallel_loop3A_403 : i1 to i32
      %parallel_loop3A_405 = arith.constant 0 : i32
      %parallel_loop3A_406 = arith.cmpi slt, %parallel_loop3A_393, %parallel_loop3A_405 : i32
      %parallel_loop3A_407 = arith.extui %parallel_loop3A_406 : i1 to i32
      %parallel_loop3A_408 = arith.subi %parallel_loop3A_404, %parallel_loop3A_407 : i32
      %parallel_loop3A_409 = arith.cmpi ne, %parallel_loop3A_401, %parallel_loop3A_408 : i32
      %parallel_loop3A_410 = arith.remsi %parallel_loop3A_392, %parallel_loop3A_393 : i32
      %parallel_loop3A_411 = arith.constant 0 : i32
      %parallel_loop3A_412 = arith.cmpi ne, %parallel_loop3A_410, %parallel_loop3A_411 : i32
      %parallel_loop3A_413 = arith.andi %parallel_loop3A_409, %parallel_loop3A_412 : i1
      %parallel_loop3A_414 = arith.constant 1 : i32
      %parallel_loop3A_415 = arith.subi %parallel_loop3A_394, %parallel_loop3A_414 : i32
      %parallel_loop3A_416 = arith.select %parallel_loop3A_413, %parallel_loop3A_415, %parallel_loop3A_394 : i32
      %parallel_loop3A_417 = arith.constant 64 : i32
      %parallel_loop3A_418 = arith.constant 0 : i32
      %parallel_loop3A_419 = arith.cmpi eq, %parallel_loop3A_417, %parallel_loop3A_418 : i32
      %parallel_loop3A_420 = arith.constant 1 : i32
      %parallel_loop3A_421 = arith.select %parallel_loop3A_419, %parallel_loop3A_420, %parallel_loop3A_417 : i32
      %parallel_loop3A_422 = arith.remsi %parallel_loop3A_392, %parallel_loop3A_421 : i32
      %parallel_loop3A_423 = arith.constant 0 : i32
      %parallel_loop3A_424 = arith.cmpi ne, %parallel_loop3A_422, %parallel_loop3A_423 : i32
      %parallel_loop3A_425 = arith.constant 0 : i32
      %parallel_loop3A_426 = arith.cmpi slt, %parallel_loop3A_422, %parallel_loop3A_425 : i32
      %parallel_loop3A_427 = arith.constant 0 : i32
      %parallel_loop3A_428 = arith.cmpi slt, %parallel_loop3A_421, %parallel_loop3A_427 : i32
      %parallel_loop3A_429 = arith.xori %parallel_loop3A_426, %parallel_loop3A_428 : i1
      %parallel_loop3A_430 = arith.andi %parallel_loop3A_429, %parallel_loop3A_424 : i1
      %parallel_loop3A_431 = arith.addi %parallel_loop3A_422, %parallel_loop3A_421 : i32
      %parallel_loop3A_432 = arith.select %parallel_loop3A_430, %parallel_loop3A_431, %parallel_loop3A_422 : i32
      %parallel_loop3A_433 = arith.constant 16 : i32
      %parallel_loop3A_434 = arith.muli %parallel_loop3A_432, %parallel_loop3A_433 : i32
      %parallel_loop3A_435 = arith.constant 0 : i32
      %parallel_loop3A_436 = arith.addi %parallel_loop3A_434, %parallel_loop3A_435 : i32
      %parallel_loop3A_437 = arith.index_cast %parallel_loop3A_416 : i32 to index
      %parallel_loop3A_438 = arith.index_cast %parallel_loop3A_436 : i32 to index
      %parallel_loop3A_439 = tpu.vector_load %arg9[%parallel_loop3A_437, %parallel_loop3A_438] {strides = array<i32>} : memref<8x2048xf32, #tpu.memory_space<vmem>>, vector<1x16xf32>,
      %parallel_loop3A_440 = vector.shape_cast %parallel_loop3A_439 : vector<1x16xf32> to vector<16xf32>
      %parallel_loop3A_441 = arith.index_cast %parallel_loop3A_416 : i32 to index
      %parallel_loop3A_442 = arith.index_cast %parallel_loop3A_436 : i32 to index
      %parallel_loop3A_443 = tpu.vector_load %arg6[%parallel_loop3A_441, %parallel_loop3A_442] {strides = array<i32>} : memref<8x2048xf32, #tpu.memory_space<vmem>>, vector<1x16xf32>,
      %parallel_loop3A_444 = vector.shape_cast %parallel_loop3A_443 : vector<1x16xf32> to vector<16xf32>
      %parallel_loop3A_445 = vector.shape_cast %parallel_loop3A_440 : vector<16xf32> to vector<1x16xf32>
      tpu.vector_store %arg6[%parallel_loop3A_441, %parallel_loop3A_442], %parallel_loop3A_445 {add = true, strides = array<i32>} : memref<8x2048xf32, #tpu.memory_space<vmem>>, vector<1x16xf32>,
    } {sc.loop_unroll_factor = 16 : i64, sc.parallel_access}
    %add3A_214 = arith.constant 0 : i32
    %add3A_215 = arith.addi %mul3A_34, %add3A_214 : i32
    %dma_start3A_216 = arith.constant 1 : i32
    %dma_start3A_217 = arith.constant 0 : i32
    %dma_start3A_218 = arith.constant 0 : i32
    %dma_start3A_219 = tpu.memref_slice %arg6[%dma_start3A_217, %dma_start3A_218] : memref<8x2048xf32, #tpu.memory_space<vmem>> -> memref<8x1024xf32, #tpu.memory_space<vmem>>
    %dma_start3A_220 = tpu.memref_slice %arg4[%dma_start3A_216, %mul3A_18, %add3A_215] : memref<4x64x8192xf32, #tpu.memory_space<hbm>> -> memref<1x8x1024xf32, #tpu.memory_space<hbm>>
    %dma_start3A_221 = tpu.memref_squeeze %dma_start3A_220 : memref<1x8x1024xf32, #tpu.memory_space<hbm>> -> memref<8x1024xf32, #tpu.memory_space<hbm>>
    %dma_start3A_222 = tpu.memref_slice %arg4[%dma_start3A_216, %mul3A_18, %add3A_215] : memref<4x64x8192xf32, #tpu.memory_space<hbm>> -> memref<1x8x1024xf32, #tpu.memory_space<hbm>>
    %dma_start3A_223 = tpu.memref_squeeze %dma_start3A_222 : memref<1x8x1024xf32, #tpu.memory_space<hbm>> -> memref<8x1024xf32, #tpu.memory_space<hbm>>
    %dma_start3A_224 = arith.constant 0 : i32
    %dma_start3A_225 = arith.constant 0 : i32
    %dma_start3A_226 = tpu.memref_slice %arg6[%dma_start3A_224, %dma_start3A_225] : memref<8x2048xf32, #tpu.memory_space<vmem>> -> memref<8x1024xf32, #tpu.memory_space<vmem>>
    tpu.enqueue_dma source(%dma_start3A_226 : memref<8x1024xf32, #tpu.memory_space<vmem>>) target(%dma_start3A_223 : memref<8x1024xf32, #tpu.memory_space<hbm>>) target_semaphore(%arg20 : memref<!tpu.dma_semaphore, #tpu.memory_space<semaphore_mem>>)
    %add3A_227 = arith.constant 1024 : i32
    %add3A_228 = arith.addi %mul3A_34, %add3A_227 : i32
    %dma_wait3A_229 = arith.constant 1 : i32
    %dma_wait3A_230 = arith.constant 0 : i32
    %dma_wait3A_231 = arith.constant 1024 : i32
    %dma_wait3A_232 = tpu.memref_slice %arg6[%dma_wait3A_230, %dma_wait3A_231] : memref<8x2048xf32, #tpu.memory_space<vmem>> -> memref<8x1024xf32, #tpu.memory_space<vmem>>
    %dma_wait3A_233 = tpu.memref_slice %arg2[%dma_wait3A_229, %mul3A_18, %add3A_228] : memref<4x64x8192xf32, #tpu.memory_space<hbm>> -> memref<1x8x1024xf32, #tpu.memory_space<hbm>>
    %dma_wait3A_234 = tpu.memref_squeeze %dma_wait3A_233 : memref<1x8x1024xf32, #tpu.memory_space<hbm>> -> memref<8x1024xf32, #tpu.memory_space<hbm>>
    %dma_wait3A_235 = arith.constant 0 : i32
    %dma_wait3A_236 = arith.constant 1024 : i32
    %dma_wait3A_237 = tpu.memref_slice %arg6[%dma_wait3A_235, %dma_wait3A_236] : memref<8x2048xf32, #tpu.memory_space<vmem>> -> memref<8x1024xf32, #tpu.memory_space<vmem>>
    %dma_wait3A_238 = tpu.memref_slice %arg2[%dma_wait3A_229, %mul3A_18, %add3A_228] : memref<4x64x8192xf32, #tpu.memory_space<hbm>> -> memref<1x8x1024xf32, #tpu.memory_space<hbm>>
    %dma_wait3A_239 = tpu.memref_squeeze %dma_wait3A_238 : memref<1x8x1024xf32, #tpu.memory_space<hbm>> -> memref<8x1024xf32, #tpu.memory_space<hbm>>
    tpu.wait_dma2 semaphore(%arg16 : memref<!tpu.dma_semaphore, #tpu.memory_space<semaphore_mem>>) src(%dma_wait3A_239 : memref<8x1024xf32, #tpu.memory_space<hbm>>) dst(%dma_wait3A_237 : memref<8x1024xf32, #tpu.memory_space<vmem>>)
    %parallel_loop3A_240 = arith.constant 0 : i32
    %parallel_loop3A_241 = arith.constant 512 : i32
    %parallel_loop3A_242 = arith.constant 1 : i32
    scf.for %parallel_loop3A_392 = %parallel_loop3A_240 to %parallel_loop3A_241 step %parallel_loop3A_242  : i32 {
      %parallel_loop3A_393 = arith.constant 64 : i32
      %parallel_loop3A_394 = arith.divsi %parallel_loop3A_392, %parallel_loop3A_393 : i32
      %parallel_loop3A_395 = arith.constant 0 : i32
      %parallel_loop3A_396 = arith.cmpi sgt, %parallel_loop3A_392, %parallel_loop3A_395 : i32
      %parallel_loop3A_397 = arith.extui %parallel_loop3A_396 : i1 to i32
      %parallel_loop3A_398 = arith.constant 0 : i32
      %parallel_loop3A_399 = arith.cmpi slt, %parallel_loop3A_392, %parallel_loop3A_398 : i32
      %parallel_loop3A_400 = arith.extui %parallel_loop3A_399 : i1 to i32
      %parallel_loop3A_401 = arith.subi %parallel_loop3A_397, %parallel_loop3A_400 : i32
      %parallel_loop3A_402 = arith.constant 0 : i32
      %parallel_loop3A_403 = arith.cmpi sgt, %parallel_loop3A_393, %parallel_loop3A_402 : i32
      %parallel_loop3A_404 = arith.extui %parallel_loop3A_403 : i1 to i32
      %parallel_loop3A_405 = arith.constant 0 : i32
      %parallel_loop3A_406 = arith.cmpi slt, %parallel_loop3A_393, %parallel_loop3A_405 : i32
      %parallel_loop3A_407 = arith.extui %parallel_loop3A_406 : i1 to i32
      %parallel_loop3A_408 = arith.subi %parallel_loop3A_404, %parallel_loop3A_407 : i32
      %parallel_loop3A_409 = arith.cmpi ne, %parallel_loop3A_401, %parallel_loop3A_408 : i32
      %parallel_loop3A_410 = arith.remsi %parallel_loop3A_392, %parallel_loop3A_393 : i32
      %parallel_loop3A_411 = arith.constant 0 : i32
      %parallel_loop3A_412 = arith.cmpi ne, %parallel_loop3A_410, %parallel_loop3A_411 : i32
      %parallel_loop3A_413 = arith.andi %parallel_loop3A_409, %parallel_loop3A_412 : i1
      %parallel_loop3A_414 = arith.constant 1 : i32
      %parallel_loop3A_415 = arith.subi %parallel_loop3A_394, %parallel_loop3A_414 : i32
      %parallel_loop3A_416 = arith.select %parallel_loop3A_413, %parallel_loop3A_415, %parallel_loop3A_394 : i32
      %parallel_loop3A_417 = arith.constant 64 : i32
      %parallel_loop3A_418 = arith.constant 0 : i32
      %parallel_loop3A_419 = arith.cmpi eq, %parallel_loop3A_417, %parallel_loop3A_418 : i32
      %parallel_loop3A_420 = arith.constant 1 : i32
      %parallel_loop3A_421 = arith.select %parallel_loop3A_419, %parallel_loop3A_420, %parallel_loop3A_417 : i32
      %parallel_loop3A_422 = arith.remsi %parallel_loop3A_392, %parallel_loop3A_421 : i32
      %parallel_loop3A_423 = arith.constant 0 : i32
      %parallel_loop3A_424 = arith.cmpi ne, %parallel_loop3A_422, %parallel_loop3A_423 : i32
      %parallel_loop3A_425 = arith.constant 0 : i32
      %parallel_loop3A_426 = arith.cmpi slt, %parallel_loop3A_422, %parallel_loop3A_425 : i32
      %parallel_loop3A_427 = arith.constant 0 : i32
      %parallel_loop3A_428 = arith.cmpi slt, %parallel_loop3A_421, %parallel_loop3A_427 : i32
      %parallel_loop3A_429 = arith.xori %parallel_loop3A_426, %parallel_loop3A_428 : i1
      %parallel_loop3A_430 = arith.andi %parallel_loop3A_429, %parallel_loop3A_424 : i1
      %parallel_loop3A_431 = arith.addi %parallel_loop3A_422, %parallel_loop3A_421 : i32
      %parallel_loop3A_432 = arith.select %parallel_loop3A_430, %parallel_loop3A_431, %parallel_loop3A_422 : i32
      %parallel_loop3A_433 = arith.constant 16 : i32
      %parallel_loop3A_434 = arith.muli %parallel_loop3A_432, %parallel_loop3A_433 : i32
      %parallel_loop3A_435 = arith.constant 1024 : i32
      %parallel_loop3A_436 = arith.addi %parallel_loop3A_434, %parallel_loop3A_435 : i32
      %parallel_loop3A_437 = arith.index_cast %parallel_loop3A_416 : i32 to index
      %parallel_loop3A_438 = arith.index_cast %parallel_loop3A_436 : i32 to index
      %parallel_loop3A_439 = tpu.vector_load %arg9[%parallel_loop3A_437, %parallel_loop3A_438] {strides = array<i32>} : memref<8x2048xf32, #tpu.memory_space<vmem>>, vector<1x16xf32>,
      %parallel_loop3A_440 = vector.shape_cast %parallel_loop3A_439 : vector<1x16xf32> to vector<16xf32>
      %parallel_loop3A_441 = arith.index_cast %parallel_loop3A_416 : i32 to index
      %parallel_loop3A_442 = arith.index_cast %parallel_loop3A_436 : i32 to index
      %parallel_loop3A_443 = tpu.vector_load %arg6[%parallel_loop3A_441, %parallel_loop3A_442] {strides = array<i32>} : memref<8x2048xf32, #tpu.memory_space<vmem>>, vector<1x16xf32>,
      %parallel_loop3A_444 = vector.shape_cast %parallel_loop3A_443 : vector<1x16xf32> to vector<16xf32>
      %parallel_loop3A_445 = vector.shape_cast %parallel_loop3A_440 : vector<16xf32> to vector<1x16xf32>
      tpu.vector_store %arg6[%parallel_loop3A_441, %parallel_loop3A_442], %parallel_loop3A_445 {add = true, strides = array<i32>} : memref<8x2048xf32, #tpu.memory_space<vmem>>, vector<1x16xf32>,
    } {sc.loop_unroll_factor = 16 : i64, sc.parallel_access}
    %add3A_243 = arith.constant 1024 : i32
    %add3A_244 = arith.addi %mul3A_34, %add3A_243 : i32
    %dma_start3A_245 = arith.constant 1 : i32
    %dma_start3A_246 = arith.constant 0 : i32
    %dma_start3A_247 = arith.constant 1024 : i32
    %dma_start3A_248 = tpu.memref_slice %arg6[%dma_start3A_246, %dma_start3A_247] : memref<8x2048xf32, #tpu.memory_space<vmem>> -> memref<8x1024xf32, #tpu.memory_space<vmem>>
    %dma_start3A_249 = tpu.memref_slice %arg4[%dma_start3A_245, %mul3A_18, %add3A_244] : memref<4x64x8192xf32, #tpu.memory_space<hbm>> -> memref<1x8x1024xf32, #tpu.memory_space<hbm>>
    %dma_start3A_250 = tpu.memref_squeeze %dma_start3A_249 : memref<1x8x1024xf32, #tpu.memory_space<hbm>> -> memref<8x1024xf32, #tpu.memory_space<hbm>>
    %dma_start3A_251 = tpu.memref_slice %arg4[%dma_start3A_245, %mul3A_18, %add3A_244] : memref<4x64x8192xf32, #tpu.memory_space<hbm>> -> memref<1x8x1024xf32, #tpu.memory_space<hbm>>
    %dma_start3A_252 = tpu.memref_squeeze %dma_start3A_251 : memref<1x8x1024xf32, #tpu.memory_space<hbm>> -> memref<8x1024xf32, #tpu.memory_space<hbm>>
    %dma_start3A_253 = arith.constant 0 : i32
    %dma_start3A_254 = arith.constant 1024 : i32
    %dma_start3A_255 = tpu.memref_slice %arg6[%dma_start3A_253, %dma_start3A_254] : memref<8x2048xf32, #tpu.memory_space<vmem>> -> memref<8x1024xf32, #tpu.memory_space<vmem>>
    tpu.enqueue_dma source(%dma_start3A_255 : memref<8x1024xf32, #tpu.memory_space<vmem>>) target(%dma_start3A_252 : memref<8x1024xf32, #tpu.memory_space<hbm>>) target_semaphore(%arg20 : memref<!tpu.dma_semaphore, #tpu.memory_space<semaphore_mem>>)
    %add3A_256 = arith.constant 0 : i32
    %add3A_257 = arith.addi %mul3A_34, %add3A_256 : i32
    %dma_wait3A_258 = arith.constant 2 : i32
    %dma_wait3A_259 = arith.constant 0 : i32
    %dma_wait3A_260 = arith.constant 0 : i32
    %dma_wait3A_261 = tpu.memref_slice %arg7[%dma_wait3A_259, %dma_wait3A_260] : memref<8x2048xf32, #tpu.memory_space<vmem>> -> memref<8x1024xf32, #tpu.memory_space<vmem>>
    %dma_wait3A_262 = tpu.memref_slice %arg2[%dma_wait3A_258, %mul3A_18, %add3A_257] : memref<4x64x8192xf32, #tpu.memory_space<hbm>> -> memref<1x8x1024xf32, #tpu.memory_space<hbm>>
    %dma_wait3A_263 = tpu.memref_squeeze %dma_wait3A_262 : memref<1x8x1024xf32, #tpu.memory_space<hbm>> -> memref<8x1024xf32, #tpu.memory_space<hbm>>
    %dma_wait3A_264 = arith.constant 0 : i32
    %dma_wait3A_265 = arith.constant 0 : i32
    %dma_wait3A_266 = tpu.memref_slice %arg7[%dma_wait3A_264, %dma_wait3A_265] : memref<8x2048xf32, #tpu.memory_space<vmem>> -> memref<8x1024xf32, #tpu.memory_space<vmem>>
    %dma_wait3A_267 = tpu.memref_slice %arg2[%dma_wait3A_258, %mul3A_18, %add3A_257] : memref<4x64x8192xf32, #tpu.memory_space<hbm>> -> memref<1x8x1024xf32, #tpu.memory_space<hbm>>
    %dma_wait3A_268 = tpu.memref_squeeze %dma_wait3A_267 : memref<1x8x1024xf32, #tpu.memory_space<hbm>> -> memref<8x1024xf32, #tpu.memory_space<hbm>>
    tpu.wait_dma2 semaphore(%arg13 : memref<!tpu.dma_semaphore, #tpu.memory_space<semaphore_mem>>) src(%dma_wait3A_268 : memref<8x1024xf32, #tpu.memory_space<hbm>>) dst(%dma_wait3A_266 : memref<8x1024xf32, #tpu.memory_space<vmem>>)
    %parallel_loop3A_269 = arith.constant 0 : i32
    %parallel_loop3A_270 = arith.constant 512 : i32
    %parallel_loop3A_271 = arith.constant 1 : i32
    scf.for %parallel_loop3A_392 = %parallel_loop3A_269 to %parallel_loop3A_270 step %parallel_loop3A_271  : i32 {
      %parallel_loop3A_393 = arith.constant 64 : i32
      %parallel_loop3A_394 = arith.divsi %parallel_loop3A_392, %parallel_loop3A_393 : i32
      %parallel_loop3A_395 = arith.constant 0 : i32
      %parallel_loop3A_396 = arith.cmpi sgt, %parallel_loop3A_392, %parallel_loop3A_395 : i32
      %parallel_loop3A_397 = arith.extui %parallel_loop3A_396 : i1 to i32
      %parallel_loop3A_398 = arith.constant 0 : i32
      %parallel_loop3A_399 = arith.cmpi slt, %parallel_loop3A_392, %parallel_loop3A_398 : i32
      %parallel_loop3A_400 = arith.extui %parallel_loop3A_399 : i1 to i32
      %parallel_loop3A_401 = arith.subi %parallel_loop3A_397, %parallel_loop3A_400 : i32
      %parallel_loop3A_402 = arith.constant 0 : i32
      %parallel_loop3A_403 = arith.cmpi sgt, %parallel_loop3A_393, %parallel_loop3A_402 : i32
      %parallel_loop3A_404 = arith.extui %parallel_loop3A_403 : i1 to i32
      %parallel_loop3A_405 = arith.constant 0 : i32
      %parallel_loop3A_406 = arith.cmpi slt, %parallel_loop3A_393, %parallel_loop3A_405 : i32
      %parallel_loop3A_407 = arith.extui %parallel_loop3A_406 : i1 to i32
      %parallel_loop3A_408 = arith.subi %parallel_loop3A_404, %parallel_loop3A_407 : i32
      %parallel_loop3A_409 = arith.cmpi ne, %parallel_loop3A_401, %parallel_loop3A_408 : i32
      %parallel_loop3A_410 = arith.remsi %parallel_loop3A_392, %parallel_loop3A_393 : i32
      %parallel_loop3A_411 = arith.constant 0 : i32
      %parallel_loop3A_412 = arith.cmpi ne, %parallel_loop3A_410, %parallel_loop3A_411 : i32
      %parallel_loop3A_413 = arith.andi %parallel_loop3A_409, %parallel_loop3A_412 : i1
      %parallel_loop3A_414 = arith.constant 1 : i32
      %parallel_loop3A_415 = arith.subi %parallel_loop3A_394, %parallel_loop3A_414 : i32
      %parallel_loop3A_416 = arith.select %parallel_loop3A_413, %parallel_loop3A_415, %parallel_loop3A_394 : i32
      %parallel_loop3A_417 = arith.constant 64 : i32
      %parallel_loop3A_418 = arith.constant 0 : i32
      %parallel_loop3A_419 = arith.cmpi eq, %parallel_loop3A_417, %parallel_loop3A_418 : i32
      %parallel_loop3A_420 = arith.constant 1 : i32
      %parallel_loop3A_421 = arith.select %parallel_loop3A_419, %parallel_loop3A_420, %parallel_loop3A_417 : i32
      %parallel_loop3A_422 = arith.remsi %parallel_loop3A_392, %parallel_loop3A_421 : i32
      %parallel_loop3A_423 = arith.constant 0 : i32
      %parallel_loop3A_424 = arith.cmpi ne, %parallel_loop3A_422, %parallel_loop3A_423 : i32
      %parallel_loop3A_425 = arith.constant 0 : i32
      %parallel_loop3A_426 = arith.cmpi slt, %parallel_loop3A_422, %parallel_loop3A_425 : i32
      %parallel_loop3A_427 = arith.constant 0 : i32
      %parallel_loop3A_428 = arith.cmpi slt, %parallel_loop3A_421, %parallel_loop3A_427 : i32
      %parallel_loop3A_429 = arith.xori %parallel_loop3A_426, %parallel_loop3A_428 : i1
      %parallel_loop3A_430 = arith.andi %parallel_loop3A_429, %parallel_loop3A_424 : i1
      %parallel_loop3A_431 = arith.addi %parallel_loop3A_422, %parallel_loop3A_421 : i32
      %parallel_loop3A_432 = arith.select %parallel_loop3A_430, %parallel_loop3A_431, %parallel_loop3A_422 : i32
      %parallel_loop3A_433 = arith.constant 16 : i32
      %parallel_loop3A_434 = arith.muli %parallel_loop3A_432, %parallel_loop3A_433 : i32
      %parallel_loop3A_435 = arith.constant 0 : i32
      %parallel_loop3A_436 = arith.addi %parallel_loop3A_434, %parallel_loop3A_435 : i32
      %parallel_loop3A_437 = arith.index_cast %parallel_loop3A_416 : i32 to index
      %parallel_loop3A_438 = arith.index_cast %parallel_loop3A_436 : i32 to index
      %parallel_loop3A_439 = tpu.vector_load %arg9[%parallel_loop3A_437, %parallel_loop3A_438] {strides = array<i32>} : memref<8x2048xf32, #tpu.memory_space<vmem>>, vector<1x16xf32>,
      %parallel_loop3A_440 = vector.shape_cast %parallel_loop3A_439 : vector<1x16xf32> to vector<16xf32>
      %parallel_loop3A_441 = arith.index_cast %parallel_loop3A_416 : i32 to index
      %parallel_loop3A_442 = arith.index_cast %parallel_loop3A_436 : i32 to index
      %parallel_loop3A_443 = tpu.vector_load %arg7[%parallel_loop3A_441, %parallel_loop3A_442] {strides = array<i32>} : memref<8x2048xf32, #tpu.memory_space<vmem>>, vector<1x16xf32>,
      %parallel_loop3A_444 = vector.shape_cast %parallel_loop3A_443 : vector<1x16xf32> to vector<16xf32>
      %parallel_loop3A_445 = vector.shape_cast %parallel_loop3A_440 : vector<16xf32> to vector<1x16xf32>
      tpu.vector_store %arg7[%parallel_loop3A_441, %parallel_loop3A_442], %parallel_loop3A_445 {add = true, strides = array<i32>} : memref<8x2048xf32, #tpu.memory_space<vmem>>, vector<1x16xf32>,
    } {sc.loop_unroll_factor = 16 : i64, sc.parallel_access}
    %add3A_272 = arith.constant 0 : i32
    %add3A_273 = arith.addi %mul3A_34, %add3A_272 : i32
    %dma_start3A_274 = arith.constant 2 : i32
    %dma_start3A_275 = arith.constant 0 : i32
    %dma_start3A_276 = arith.constant 0 : i32
    %dma_start3A_277 = tpu.memref_slice %arg7[%dma_start3A_275, %dma_start3A_276] : memref<8x2048xf32, #tpu.memory_space<vmem>> -> memref<8x1024xf32, #tpu.memory_space<vmem>>
    %dma_start3A_278 = tpu.memref_slice %arg4[%dma_start3A_274, %mul3A_18, %add3A_273] : memref<4x64x8192xf32, #tpu.memory_space<hbm>> -> memref<1x8x1024xf32, #tpu.memory_space<hbm>>
    %dma_start3A_279 = tpu.memref_squeeze %dma_start3A_278 : memref<1x8x1024xf32, #tpu.memory_space<hbm>> -> memref<8x1024xf32, #tpu.memory_space<hbm>>
    %dma_start3A_280 = tpu.memref_slice %arg4[%dma_start3A_274, %mul3A_18, %add3A_273] : memref<4x64x8192xf32, #tpu.memory_space<hbm>> -> memref<1x8x1024xf32, #tpu.memory_space<hbm>>
    %dma_start3A_281 = tpu.memref_squeeze %dma_start3A_280 : memref<1x8x1024xf32, #tpu.memory_space<hbm>> -> memref<8x1024xf32, #tpu.memory_space<hbm>>
    %dma_start3A_282 = arith.constant 0 : i32
    %dma_start3A_283 = arith.constant 0 : i32
    %dma_start3A_284 = tpu.memref_slice %arg7[%dma_start3A_282, %dma_start3A_283] : memref<8x2048xf32, #tpu.memory_space<vmem>> -> memref<8x1024xf32, #tpu.memory_space<vmem>>
    tpu.enqueue_dma source(%dma_start3A_284 : memref<8x1024xf32, #tpu.memory_space<vmem>>) target(%dma_start3A_281 : memref<8x1024xf32, #tpu.memory_space<hbm>>) target_semaphore(%arg21 : memref<!tpu.dma_semaphore, #tpu.memory_space<semaphore_mem>>)
    %add3A_285 = arith.constant 1024 : i32
    %add3A_286 = arith.addi %mul3A_34, %add3A_285 : i32
    %dma_wait3A_287 = arith.constant 2 : i32
    %dma_wait3A_288 = arith.constant 0 : i32
    %dma_wait3A_289 = arith.constant 1024 : i32
    %dma_wait3A_290 = tpu.memref_slice %arg7[%dma_wait3A_288, %dma_wait3A_289] : memref<8x2048xf32, #tpu.memory_space<vmem>> -> memref<8x1024xf32, #tpu.memory_space<vmem>>
    %dma_wait3A_291 = tpu.memref_slice %arg2[%dma_wait3A_287, %mul3A_18, %add3A_286] : memref<4x64x8192xf32, #tpu.memory_space<hbm>> -> memref<1x8x1024xf32, #tpu.memory_space<hbm>>
    %dma_wait3A_292 = tpu.memref_squeeze %dma_wait3A_291 : memref<1x8x1024xf32, #tpu.memory_space<hbm>> -> memref<8x1024xf32, #tpu.memory_space<hbm>>
    %dma_wait3A_293 = arith.constant 0 : i32
    %dma_wait3A_294 = arith.constant 1024 : i32
    %dma_wait3A_295 = tpu.memref_slice %arg7[%dma_wait3A_293, %dma_wait3A_294] : memref<8x2048xf32, #tpu.memory_space<vmem>> -> memref<8x1024xf32, #tpu.memory_space<vmem>>
    %dma_wait3A_296 = tpu.memref_slice %arg2[%dma_wait3A_287, %mul3A_18, %add3A_286] : memref<4x64x8192xf32, #tpu.memory_space<hbm>> -> memref<1x8x1024xf32, #tpu.memory_space<hbm>>
    %dma_wait3A_297 = tpu.memref_squeeze %dma_wait3A_296 : memref<1x8x1024xf32, #tpu.memory_space<hbm>> -> memref<8x1024xf32, #tpu.memory_space<hbm>>
    tpu.wait_dma2 semaphore(%arg17 : memref<!tpu.dma_semaphore, #tpu.memory_space<semaphore_mem>>) src(%dma_wait3A_297 : memref<8x1024xf32, #tpu.memory_space<hbm>>) dst(%dma_wait3A_295 : memref<8x1024xf32, #tpu.memory_space<vmem>>)
    %parallel_loop3A_298 = arith.constant 0 : i32
    %parallel_loop3A_299 = arith.constant 512 : i32
    %parallel_loop3A_300 = arith.constant 1 : i32
    scf.for %parallel_loop3A_392 = %parallel_loop3A_298 to %parallel_loop3A_299 step %parallel_loop3A_300  : i32 {
      %parallel_loop3A_393 = arith.constant 64 : i32
      %parallel_loop3A_394 = arith.divsi %parallel_loop3A_392, %parallel_loop3A_393 : i32
      %parallel_loop3A_395 = arith.constant 0 : i32
      %parallel_loop3A_396 = arith.cmpi sgt, %parallel_loop3A_392, %parallel_loop3A_395 : i32
      %parallel_loop3A_397 = arith.extui %parallel_loop3A_396 : i1 to i32
      %parallel_loop3A_398 = arith.constant 0 : i32
      %parallel_loop3A_399 = arith.cmpi slt, %parallel_loop3A_392, %parallel_loop3A_398 : i32
      %parallel_loop3A_400 = arith.extui %parallel_loop3A_399 : i1 to i32
      %parallel_loop3A_401 = arith.subi %parallel_loop3A_397, %parallel_loop3A_400 : i32
      %parallel_loop3A_402 = arith.constant 0 : i32
      %parallel_loop3A_403 = arith.cmpi sgt, %parallel_loop3A_393, %parallel_loop3A_402 : i32
      %parallel_loop3A_404 = arith.extui %parallel_loop3A_403 : i1 to i32
      %parallel_loop3A_405 = arith.constant 0 : i32
      %parallel_loop3A_406 = arith.cmpi slt, %parallel_loop3A_393, %parallel_loop3A_405 : i32
      %parallel_loop3A_407 = arith.extui %parallel_loop3A_406 : i1 to i32
      %parallel_loop3A_408 = arith.subi %parallel_loop3A_404, %parallel_loop3A_407 : i32
      %parallel_loop3A_409 = arith.cmpi ne, %parallel_loop3A_401, %parallel_loop3A_408 : i32
      %parallel_loop3A_410 = arith.remsi %parallel_loop3A_392, %parallel_loop3A_393 : i32
      %parallel_loop3A_411 = arith.constant 0 : i32
      %parallel_loop3A_412 = arith.cmpi ne, %parallel_loop3A_410, %parallel_loop3A_411 : i32
      %parallel_loop3A_413 = arith.andi %parallel_loop3A_409, %parallel_loop3A_412 : i1
      %parallel_loop3A_414 = arith.constant 1 : i32
      %parallel_loop3A_415 = arith.subi %parallel_loop3A_394, %parallel_loop3A_414 : i32
      %parallel_loop3A_416 = arith.select %parallel_loop3A_413, %parallel_loop3A_415, %parallel_loop3A_394 : i32
      %parallel_loop3A_417 = arith.constant 64 : i32
      %parallel_loop3A_418 = arith.constant 0 : i32
      %parallel_loop3A_419 = arith.cmpi eq, %parallel_loop3A_417, %parallel_loop3A_418 : i32
      %parallel_loop3A_420 = arith.constant 1 : i32
      %parallel_loop3A_421 = arith.select %parallel_loop3A_419, %parallel_loop3A_420, %parallel_loop3A_417 : i32
      %parallel_loop3A_422 = arith.remsi %parallel_loop3A_392, %parallel_loop3A_421 : i32
      %parallel_loop3A_423 = arith.constant 0 : i32
      %parallel_loop3A_424 = arith.cmpi ne, %parallel_loop3A_422, %parallel_loop3A_423 : i32
      %parallel_loop3A_425 = arith.constant 0 : i32
      %parallel_loop3A_426 = arith.cmpi slt, %parallel_loop3A_422, %parallel_loop3A_425 : i32
      %parallel_loop3A_427 = arith.constant 0 : i32
      %parallel_loop3A_428 = arith.cmpi slt, %parallel_loop3A_421, %parallel_loop3A_427 : i32
      %parallel_loop3A_429 = arith.xori %parallel_loop3A_426, %parallel_loop3A_428 : i1
      %parallel_loop3A_430 = arith.andi %parallel_loop3A_429, %parallel_loop3A_424 : i1
      %parallel_loop3A_431 = arith.addi %parallel_loop3A_422, %parallel_loop3A_421 : i32
      %parallel_loop3A_432 = arith.select %parallel_loop3A_430, %parallel_loop3A_431, %parallel_loop3A_422 : i32
      %parallel_loop3A_433 = arith.constant 16 : i32
      %parallel_loop3A_434 = arith.muli %parallel_loop3A_432, %parallel_loop3A_433 : i32
      %parallel_loop3A_435 = arith.constant 1024 : i32
      %parallel_loop3A_436 = arith.addi %parallel_loop3A_434, %parallel_loop3A_435 : i32
      %parallel_loop3A_437 = arith.index_cast %parallel_loop3A_416 : i32 to index
      %parallel_loop3A_438 = arith.index_cast %parallel_loop3A_436 : i32 to index
      %parallel_loop3A_439 = tpu.vector_load %arg9[%parallel_loop3A_437, %parallel_loop3A_438] {strides = array<i32>} : memref<8x2048xf32, #tpu.memory_space<vmem>>, vector<1x16xf32>,
      %parallel_loop3A_440 = vector.shape_cast %parallel_loop3A_439 : vector<1x16xf32> to vector<16xf32>
      %parallel_loop3A_441 = arith.index_cast %parallel_loop3A_416 : i32 to index
      %parallel_loop3A_442 = arith.index_cast %parallel_loop3A_436 : i32 to index
      %parallel_loop3A_443 = tpu.vector_load %arg7[%parallel_loop3A_441, %parallel_loop3A_442] {strides = array<i32>} : memref<8x2048xf32, #tpu.memory_space<vmem>>, vector<1x16xf32>,
      %parallel_loop3A_444 = vector.shape_cast %parallel_loop3A_443 : vector<1x16xf32> to vector<16xf32>
      %parallel_loop3A_445 = vector.shape_cast %parallel_loop3A_440 : vector<16xf32> to vector<1x16xf32>
      tpu.vector_store %arg7[%parallel_loop3A_441, %parallel_loop3A_442], %parallel_loop3A_445 {add = true, strides = array<i32>} : memref<8x2048xf32, #tpu.memory_space<vmem>>, vector<1x16xf32>,
    } {sc.loop_unroll_factor = 16 : i64, sc.parallel_access}
    %add3A_301 = arith.constant 1024 : i32
    %add3A_302 = arith.addi %mul3A_34, %add3A_301 : i32
    %dma_start3A_303 = arith.constant 2 : i32
    %dma_start3A_304 = arith.constant 0 : i32
    %dma_start3A_305 = arith.constant 1024 : i32
    %dma_start3A_306 = tpu.memref_slice %arg7[%dma_start3A_304, %dma_start3A_305] : memref<8x2048xf32, #tpu.memory_space<vmem>> -> memref<8x1024xf32, #tpu.memory_space<vmem>>
    %dma_start3A_307 = tpu.memref_slice %arg4[%dma_start3A_303, %mul3A_18, %add3A_302] : memref<4x64x8192xf32, #tpu.memory_space<hbm>> -> memref<1x8x1024xf32, #tpu.memory_space<hbm>>
    %dma_start3A_308 = tpu.memref_squeeze %dma_start3A_307 : memref<1x8x1024xf32, #tpu.memory_space<hbm>> -> memref<8x1024xf32, #tpu.memory_space<hbm>>
    %dma_start3A_309 = tpu.memref_slice %arg4[%dma_start3A_303, %mul3A_18, %add3A_302] : memref<4x64x8192xf32, #tpu.memory_space<hbm>> -> memref<1x8x1024xf32, #tpu.memory_space<hbm>>
    %dma_start3A_310 = tpu.memref_squeeze %dma_start3A_309 : memref<1x8x1024xf32, #tpu.memory_space<hbm>> -> memref<8x1024xf32, #tpu.memory_space<hbm>>
    %dma_start3A_311 = arith.constant 0 : i32
    %dma_start3A_312 = arith.constant 1024 : i32
    %dma_start3A_313 = tpu.memref_slice %arg7[%dma_start3A_311, %dma_start3A_312] : memref<8x2048xf32, #tpu.memory_space<vmem>> -> memref<8x1024xf32, #tpu.memory_space<vmem>>
    tpu.enqueue_dma source(%dma_start3A_313 : memref<8x1024xf32, #tpu.memory_space<vmem>>) target(%dma_start3A_310 : memref<8x1024xf32, #tpu.memory_space<hbm>>) target_semaphore(%arg21 : memref<!tpu.dma_semaphore, #tpu.memory_space<semaphore_mem>>)
    %add3A_314 = arith.constant 0 : i32
    %add3A_315 = arith.addi %mul3A_34, %add3A_314 : i32
    %dma_wait3A_316 = arith.constant 3 : i32
    %dma_wait3A_317 = arith.constant 0 : i32
    %dma_wait3A_318 = arith.constant 0 : i32
    %dma_wait3A_319 = tpu.memref_slice %arg8[%dma_wait3A_317, %dma_wait3A_318] : memref<8x2048xf32, #tpu.memory_space<vmem>> -> memref<8x1024xf32, #tpu.memory_space<vmem>>
    %dma_wait3A_320 = tpu.memref_slice %arg2[%dma_wait3A_316, %mul3A_18, %add3A_315] : memref<4x64x8192xf32, #tpu.memory_space<hbm>> -> memref<1x8x1024xf32, #tpu.memory_space<hbm>>
    %dma_wait3A_321 = tpu.memref_squeeze %dma_wait3A_320 : memref<1x8x1024xf32, #tpu.memory_space<hbm>> -> memref<8x1024xf32, #tpu.memory_space<hbm>>
    %dma_wait3A_322 = arith.constant 0 : i32
    %dma_wait3A_323 = arith.constant 0 : i32
    %dma_wait3A_324 = tpu.memref_slice %arg8[%dma_wait3A_322, %dma_wait3A_323] : memref<8x2048xf32, #tpu.memory_space<vmem>> -> memref<8x1024xf32, #tpu.memory_space<vmem>>
    %dma_wait3A_325 = tpu.memref_slice %arg2[%dma_wait3A_316, %mul3A_18, %add3A_315] : memref<4x64x8192xf32, #tpu.memory_space<hbm>> -> memref<1x8x1024xf32, #tpu.memory_space<hbm>>
    %dma_wait3A_326 = tpu.memref_squeeze %dma_wait3A_325 : memref<1x8x1024xf32, #tpu.memory_space<hbm>> -> memref<8x1024xf32, #tpu.memory_space<hbm>>
    tpu.wait_dma2 semaphore(%arg14 : memref<!tpu.dma_semaphore, #tpu.memory_space<semaphore_mem>>) src(%dma_wait3A_326 : memref<8x1024xf32, #tpu.memory_space<hbm>>) dst(%dma_wait3A_324 : memref<8x1024xf32, #tpu.memory_space<vmem>>)
    %parallel_loop3A_327 = arith.constant 0 : i32
    %parallel_loop3A_328 = arith.constant 512 : i32
    %parallel_loop3A_329 = arith.constant 1 : i32
    scf.for %parallel_loop3A_392 = %parallel_loop3A_327 to %parallel_loop3A_328 step %parallel_loop3A_329  : i32 {
      %parallel_loop3A_393 = arith.constant 64 : i32
      %parallel_loop3A_394 = arith.divsi %parallel_loop3A_392, %parallel_loop3A_393 : i32
      %parallel_loop3A_395 = arith.constant 0 : i32
      %parallel_loop3A_396 = arith.cmpi sgt, %parallel_loop3A_392, %parallel_loop3A_395 : i32
      %parallel_loop3A_397 = arith.extui %parallel_loop3A_396 : i1 to i32
      %parallel_loop3A_398 = arith.constant 0 : i32
      %parallel_loop3A_399 = arith.cmpi slt, %parallel_loop3A_392, %parallel_loop3A_398 : i32
      %parallel_loop3A_400 = arith.extui %parallel_loop3A_399 : i1 to i32
      %parallel_loop3A_401 = arith.subi %parallel_loop3A_397, %parallel_loop3A_400 : i32
      %parallel_loop3A_402 = arith.constant 0 : i32
      %parallel_loop3A_403 = arith.cmpi sgt, %parallel_loop3A_393, %parallel_loop3A_402 : i32
      %parallel_loop3A_404 = arith.extui %parallel_loop3A_403 : i1 to i32
      %parallel_loop3A_405 = arith.constant 0 : i32
      %parallel_loop3A_406 = arith.cmpi slt, %parallel_loop3A_393, %parallel_loop3A_405 : i32
      %parallel_loop3A_407 = arith.extui %parallel_loop3A_406 : i1 to i32
      %parallel_loop3A_408 = arith.subi %parallel_loop3A_404, %parallel_loop3A_407 : i32
      %parallel_loop3A_409 = arith.cmpi ne, %parallel_loop3A_401, %parallel_loop3A_408 : i32
      %parallel_loop3A_410 = arith.remsi %parallel_loop3A_392, %parallel_loop3A_393 : i32
      %parallel_loop3A_411 = arith.constant 0 : i32
      %parallel_loop3A_412 = arith.cmpi ne, %parallel_loop3A_410, %parallel_loop3A_411 : i32
      %parallel_loop3A_413 = arith.andi %parallel_loop3A_409, %parallel_loop3A_412 : i1
      %parallel_loop3A_414 = arith.constant 1 : i32
      %parallel_loop3A_415 = arith.subi %parallel_loop3A_394, %parallel_loop3A_414 : i32
      %parallel_loop3A_416 = arith.select %parallel_loop3A_413, %parallel_loop3A_415, %parallel_loop3A_394 : i32
      %parallel_loop3A_417 = arith.constant 64 : i32
      %parallel_loop3A_418 = arith.constant 0 : i32
      %parallel_loop3A_419 = arith.cmpi eq, %parallel_loop3A_417, %parallel_loop3A_418 : i32
      %parallel_loop3A_420 = arith.constant 1 : i32
      %parallel_loop3A_421 = arith.select %parallel_loop3A_419, %parallel_loop3A_420, %parallel_loop3A_417 : i32
      %parallel_loop3A_422 = arith.remsi %parallel_loop3A_392, %parallel_loop3A_421 : i32
      %parallel_loop3A_423 = arith.constant 0 : i32
      %parallel_loop3A_424 = arith.cmpi ne, %parallel_loop3A_422, %parallel_loop3A_423 : i32
      %parallel_loop3A_425 = arith.constant 0 : i32
      %parallel_loop3A_426 = arith.cmpi slt, %parallel_loop3A_422, %parallel_loop3A_425 : i32
      %parallel_loop3A_427 = arith.constant 0 : i32
      %parallel_loop3A_428 = arith.cmpi slt, %parallel_loop3A_421, %parallel_loop3A_427 : i32
      %parallel_loop3A_429 = arith.xori %parallel_loop3A_426, %parallel_loop3A_428 : i1
      %parallel_loop3A_430 = arith.andi %parallel_loop3A_429, %parallel_loop3A_424 : i1
      %parallel_loop3A_431 = arith.addi %parallel_loop3A_422, %parallel_loop3A_421 : i32
      %parallel_loop3A_432 = arith.select %parallel_loop3A_430, %parallel_loop3A_431, %parallel_loop3A_422 : i32
      %parallel_loop3A_433 = arith.constant 16 : i32
      %parallel_loop3A_434 = arith.muli %parallel_loop3A_432, %parallel_loop3A_433 : i32
      %parallel_loop3A_435 = arith.constant 0 : i32
      %parallel_loop3A_436 = arith.addi %parallel_loop3A_434, %parallel_loop3A_435 : i32
      %parallel_loop3A_437 = arith.index_cast %parallel_loop3A_416 : i32 to index
      %parallel_loop3A_438 = arith.index_cast %parallel_loop3A_436 : i32 to index
      %parallel_loop3A_439 = tpu.vector_load %arg9[%parallel_loop3A_437, %parallel_loop3A_438] {strides = array<i32>} : memref<8x2048xf32, #tpu.memory_space<vmem>>, vector<1x16xf32>,
      %parallel_loop3A_440 = vector.shape_cast %parallel_loop3A_439 : vector<1x16xf32> to vector<16xf32>
      %parallel_loop3A_441 = arith.index_cast %parallel_loop3A_416 : i32 to index
      %parallel_loop3A_442 = arith.index_cast %parallel_loop3A_436 : i32 to index
      %parallel_loop3A_443 = tpu.vector_load %arg8[%parallel_loop3A_441, %parallel_loop3A_442] {strides = array<i32>} : memref<8x2048xf32, #tpu.memory_space<vmem>>, vector<1x16xf32>,
      %parallel_loop3A_444 = vector.shape_cast %parallel_loop3A_443 : vector<1x16xf32> to vector<16xf32>
      %parallel_loop3A_445 = vector.shape_cast %parallel_loop3A_440 : vector<16xf32> to vector<1x16xf32>
      tpu.vector_store %arg8[%parallel_loop3A_441, %parallel_loop3A_442], %parallel_loop3A_445 {add = true, strides = array<i32>} : memref<8x2048xf32, #tpu.memory_space<vmem>>, vector<1x16xf32>,
    } {sc.loop_unroll_factor = 16 : i64, sc.parallel_access}
    %add3A_330 = arith.constant 0 : i32
    %add3A_331 = arith.addi %mul3A_34, %add3A_330 : i32
    %dma_start3A_332 = arith.constant 3 : i32
    %dma_start3A_333 = arith.constant 0 : i32
    %dma_start3A_334 = arith.constant 0 : i32
    %dma_start3A_335 = tpu.memref_slice %arg8[%dma_start3A_333, %dma_start3A_334] : memref<8x2048xf32, #tpu.memory_space<vmem>> -> memref<8x1024xf32, #tpu.memory_space<vmem>>
    %dma_start3A_336 = tpu.memref_slice %arg4[%dma_start3A_332, %mul3A_18, %add3A_331] : memref<4x64x8192xf32, #tpu.memory_space<hbm>> -> memref<1x8x1024xf32, #tpu.memory_space<hbm>>
    %dma_start3A_337 = tpu.memref_squeeze %dma_start3A_336 : memref<1x8x1024xf32, #tpu.memory_space<hbm>> -> memref<8x1024xf32, #tpu.memory_space<hbm>>
    %dma_start3A_338 = tpu.memref_slice %arg4[%dma_start3A_332, %mul3A_18, %add3A_331] : memref<4x64x8192xf32, #tpu.memory_space<hbm>> -> memref<1x8x1024xf32, #tpu.memory_space<hbm>>
    %dma_start3A_339 = tpu.memref_squeeze %dma_start3A_338 : memref<1x8x1024xf32, #tpu.memory_space<hbm>> -> memref<8x1024xf32, #tpu.memory_space<hbm>>
    %dma_start3A_340 = arith.constant 0 : i32
    %dma_start3A_341 = arith.constant 0 : i32
    %dma_start3A_342 = tpu.memref_slice %arg8[%dma_start3A_340, %dma_start3A_341] : memref<8x2048xf32, #tpu.memory_space<vmem>> -> memref<8x1024xf32, #tpu.memory_space<vmem>>
    tpu.enqueue_dma source(%dma_start3A_342 : memref<8x1024xf32, #tpu.memory_space<vmem>>) target(%dma_start3A_339 : memref<8x1024xf32, #tpu.memory_space<hbm>>) target_semaphore(%arg22 : memref<!tpu.dma_semaphore, #tpu.memory_space<semaphore_mem>>)
    %add3A_343 = arith.constant 1024 : i32
    %add3A_344 = arith.addi %mul3A_34, %add3A_343 : i32
    %dma_wait3A_345 = arith.constant 3 : i32
    %dma_wait3A_346 = arith.constant 0 : i32
    %dma_wait3A_347 = arith.constant 1024 : i32
    %dma_wait3A_348 = tpu.memref_slice %arg8[%dma_wait3A_346, %dma_wait3A_347] : memref<8x2048xf32, #tpu.memory_space<vmem>> -> memref<8x1024xf32, #tpu.memory_space<vmem>>
    %dma_wait3A_349 = tpu.memref_slice %arg2[%dma_wait3A_345, %mul3A_18, %add3A_344] : memref<4x64x8192xf32, #tpu.memory_space<hbm>> -> memref<1x8x1024xf32, #tpu.memory_space<hbm>>
    %dma_wait3A_350 = tpu.memref_squeeze %dma_wait3A_349 : memref<1x8x1024xf32, #tpu.memory_space<hbm>> -> memref<8x1024xf32, #tpu.memory_space<hbm>>
    %dma_wait3A_351 = arith.constant 0 : i32
    %dma_wait3A_352 = arith.constant 1024 : i32
    %dma_wait3A_353 = tpu.memref_slice %arg8[%dma_wait3A_351, %dma_wait3A_352] : memref<8x2048xf32, #tpu.memory_space<vmem>> -> memref<8x1024xf32, #tpu.memory_space<vmem>>
    %dma_wait3A_354 = tpu.memref_slice %arg2[%dma_wait3A_345, %mul3A_18, %add3A_344] : memref<4x64x8192xf32, #tpu.memory_space<hbm>> -> memref<1x8x1024xf32, #tpu.memory_space<hbm>>
    %dma_wait3A_355 = tpu.memref_squeeze %dma_wait3A_354 : memref<1x8x1024xf32, #tpu.memory_space<hbm>> -> memref<8x1024xf32, #tpu.memory_space<hbm>>
    tpu.wait_dma2 semaphore(%arg18 : memref<!tpu.dma_semaphore, #tpu.memory_space<semaphore_mem>>) src(%dma_wait3A_355 : memref<8x1024xf32, #tpu.memory_space<hbm>>) dst(%dma_wait3A_353 : memref<8x1024xf32, #tpu.memory_space<vmem>>)
    %parallel_loop3A_356 = arith.constant 0 : i32
    %parallel_loop3A_357 = arith.constant 512 : i32
    %parallel_loop3A_358 = arith.constant 1 : i32
    scf.for %parallel_loop3A_392 = %parallel_loop3A_356 to %parallel_loop3A_357 step %parallel_loop3A_358  : i32 {
      %parallel_loop3A_393 = arith.constant 64 : i32
      %parallel_loop3A_394 = arith.divsi %parallel_loop3A_392, %parallel_loop3A_393 : i32
      %parallel_loop3A_395 = arith.constant 0 : i32
      %parallel_loop3A_396 = arith.cmpi sgt, %parallel_loop3A_392, %parallel_loop3A_395 : i32
      %parallel_loop3A_397 = arith.extui %parallel_loop3A_396 : i1 to i32
      %parallel_loop3A_398 = arith.constant 0 : i32
      %parallel_loop3A_399 = arith.cmpi slt, %parallel_loop3A_392, %parallel_loop3A_398 : i32
      %parallel_loop3A_400 = arith.extui %parallel_loop3A_399 : i1 to i32
      %parallel_loop3A_401 = arith.subi %parallel_loop3A_397, %parallel_loop3A_400 : i32
      %parallel_loop3A_402 = arith.constant 0 : i32
      %parallel_loop3A_403 = arith.cmpi sgt, %parallel_loop3A_393, %parallel_loop3A_402 : i32
      %parallel_loop3A_404 = arith.extui %parallel_loop3A_403 : i1 to i32
      %parallel_loop3A_405 = arith.constant 0 : i32
      %parallel_loop3A_406 = arith.cmpi slt, %parallel_loop3A_393, %parallel_loop3A_405 : i32
      %parallel_loop3A_407 = arith.extui %parallel_loop3A_406 : i1 to i32
      %parallel_loop3A_408 = arith.subi %parallel_loop3A_404, %parallel_loop3A_407 : i32
      %parallel_loop3A_409 = arith.cmpi ne, %parallel_loop3A_401, %parallel_loop3A_408 : i32
      %parallel_loop3A_410 = arith.remsi %parallel_loop3A_392, %parallel_loop3A_393 : i32
      %parallel_loop3A_411 = arith.constant 0 : i32
      %parallel_loop3A_412 = arith.cmpi ne, %parallel_loop3A_410, %parallel_loop3A_411 : i32
      %parallel_loop3A_413 = arith.andi %parallel_loop3A_409, %parallel_loop3A_412 : i1
      %parallel_loop3A_414 = arith.constant 1 : i32
      %parallel_loop3A_415 = arith.subi %parallel_loop3A_394, %parallel_loop3A_414 : i32
      %parallel_loop3A_416 = arith.select %parallel_loop3A_413, %parallel_loop3A_415, %parallel_loop3A_394 : i32
      %parallel_loop3A_417 = arith.constant 64 : i32
      %parallel_loop3A_418 = arith.constant 0 : i32
      %parallel_loop3A_419 = arith.cmpi eq, %parallel_loop3A_417, %parallel_loop3A_418 : i32
      %parallel_loop3A_420 = arith.constant 1 : i32
      %parallel_loop3A_421 = arith.select %parallel_loop3A_419, %parallel_loop3A_420, %parallel_loop3A_417 : i32
      %parallel_loop3A_422 = arith.remsi %parallel_loop3A_392, %parallel_loop3A_421 : i32
      %parallel_loop3A_423 = arith.constant 0 : i32
      %parallel_loop3A_424 = arith.cmpi ne, %parallel_loop3A_422, %parallel_loop3A_423 : i32
      %parallel_loop3A_425 = arith.constant 0 : i32
      %parallel_loop3A_426 = arith.cmpi slt, %parallel_loop3A_422, %parallel_loop3A_425 : i32
      %parallel_loop3A_427 = arith.constant 0 : i32
      %parallel_loop3A_428 = arith.cmpi slt, %parallel_loop3A_421, %parallel_loop3A_427 : i32
      %parallel_loop3A_429 = arith.xori %parallel_loop3A_426, %parallel_loop3A_428 : i1
      %parallel_loop3A_430 = arith.andi %parallel_loop3A_429, %parallel_loop3A_424 : i1
      %parallel_loop3A_431 = arith.addi %parallel_loop3A_422, %parallel_loop3A_421 : i32
      %parallel_loop3A_432 = arith.select %parallel_loop3A_430, %parallel_loop3A_431, %parallel_loop3A_422 : i32
      %parallel_loop3A_433 = arith.constant 16 : i32
      %parallel_loop3A_434 = arith.muli %parallel_loop3A_432, %parallel_loop3A_433 : i32
      %parallel_loop3A_435 = arith.constant 1024 : i32
      %parallel_loop3A_436 = arith.addi %parallel_loop3A_434, %parallel_loop3A_435 : i32
      %parallel_loop3A_437 = arith.index_cast %parallel_loop3A_416 : i32 to index
      %parallel_loop3A_438 = arith.index_cast %parallel_loop3A_436 : i32 to index
      %parallel_loop3A_439 = tpu.vector_load %arg9[%parallel_loop3A_437, %parallel_loop3A_438] {strides = array<i32>} : memref<8x2048xf32, #tpu.memory_space<vmem>>, vector<1x16xf32>,
      %parallel_loop3A_440 = vector.shape_cast %parallel_loop3A_439 : vector<1x16xf32> to vector<16xf32>
      %parallel_loop3A_441 = arith.index_cast %parallel_loop3A_416 : i32 to index
      %parallel_loop3A_442 = arith.index_cast %parallel_loop3A_436 : i32 to index
      %parallel_loop3A_443 = tpu.vector_load %arg8[%parallel_loop3A_441, %parallel_loop3A_442] {strides = array<i32>} : memref<8x2048xf32, #tpu.memory_space<vmem>>, vector<1x16xf32>,
      %parallel_loop3A_444 = vector.shape_cast %parallel_loop3A_443 : vector<1x16xf32> to vector<16xf32>
      %parallel_loop3A_445 = vector.shape_cast %parallel_loop3A_440 : vector<16xf32> to vector<1x16xf32>
      tpu.vector_store %arg8[%parallel_loop3A_441, %parallel_loop3A_442], %parallel_loop3A_445 {add = true, strides = array<i32>} : memref<8x2048xf32, #tpu.memory_space<vmem>>, vector<1x16xf32>,
    } {sc.loop_unroll_factor = 16 : i64, sc.parallel_access}
    %add3A_359 = arith.constant 1024 : i32
    %add3A_360 = arith.addi %mul3A_34, %add3A_359 : i32
    %dma_start3A_361 = arith.constant 3 : i32
    %dma_start3A_362 = arith.constant 0 : i32
    %dma_start3A_363 = arith.constant 1024 : i32
    %dma_start3A_364 = tpu.memref_slice %arg8[%dma_start3A_362, %dma_start3A_363] : memref<8x2048xf32, #tpu.memory_space<vmem>> -> memref<8x1024xf32, #tpu.memory_space<vmem>>
    %dma_start3A_365 = tpu.memref_slice %arg4[%dma_start3A_361, %mul3A_18, %add3A_360] : memref<4x64x8192xf32, #tpu.memory_space<hbm>> -> memref<1x8x1024xf32, #tpu.memory_space<hbm>>
    %dma_start3A_366 = tpu.memref_squeeze %dma_start3A_365 : memref<1x8x1024xf32, #tpu.memory_space<hbm>> -> memref<8x1024xf32, #tpu.memory_space<hbm>>
    %dma_start3A_367 = tpu.memref_slice %arg4[%dma_start3A_361, %mul3A_18, %add3A_360] : memref<4x64x8192xf32, #tpu.memory_space<hbm>> -> memref<1x8x1024xf32, #tpu.memory_space<hbm>>
    %dma_start3A_368 = tpu.memref_squeeze %dma_start3A_367 : memref<1x8x1024xf32, #tpu.memory_space<hbm>> -> memref<8x1024xf32, #tpu.memory_space<hbm>>
    %dma_start3A_369 = arith.constant 0 : i32
    %dma_start3A_370 = arith.constant 1024 : i32
    %dma_start3A_371 = tpu.memref_slice %arg8[%dma_start3A_369, %dma_start3A_370] : memref<8x2048xf32, #tpu.memory_space<vmem>> -> memref<8x1024xf32, #tpu.memory_space<vmem>>
    tpu.enqueue_dma source(%dma_start3A_371 : memref<8x1024xf32, #tpu.memory_space<vmem>>) target(%dma_start3A_368 : memref<8x1024xf32, #tpu.memory_space<hbm>>) target_semaphore(%arg22 : memref<!tpu.dma_semaphore, #tpu.memory_space<semaphore_mem>>)
    %dma_wait3A_372 = arith.constant 0 : i32
    %dma_wait3A_373 = tpu.memref_slice %arg4[%dma_wait3A_372, %mul3A_18, %mul3A_34] : memref<4x64x8192xf32, #tpu.memory_space<hbm>> -> memref<1x8x2048xf32, #tpu.memory_space<hbm>>
    %dma_wait3A_374 = tpu.memref_squeeze %dma_wait3A_373 : memref<1x8x2048xf32, #tpu.memory_space<hbm>> -> memref<8x2048xf32, #tpu.memory_space<hbm>>
    %dma_wait3A_375 = tpu.memref_slice %arg4[%dma_wait3A_372, %mul3A_18, %mul3A_34] : memref<4x64x8192xf32, #tpu.memory_space<hbm>> -> memref<1x8x2048xf32, #tpu.memory_space<hbm>>
    %dma_wait3A_376 = tpu.memref_squeeze %dma_wait3A_375 : memref<1x8x2048xf32, #tpu.memory_space<hbm>> -> memref<8x2048xf32, #tpu.memory_space<hbm>>
    tpu.wait_dma2 semaphore(%arg19 : memref<!tpu.dma_semaphore, #tpu.memory_space<semaphore_mem>>) src(%arg5 : memref<8x2048xf32, #tpu.memory_space<vmem>>) dst(%dma_wait3A_376 : memref<8x2048xf32, #tpu.memory_space<hbm>>)
    %dma_wait3A_377 = arith.constant 1 : i32
    %dma_wait3A_378 = tpu.memref_slice %arg4[%dma_wait3A_377, %mul3A_18, %mul3A_34] : memref<4x64x8192xf32, #tpu.memory_space<hbm>> -> memref<1x8x2048xf32, #tpu.memory_space<hbm>>
    %dma_wait3A_379 = tpu.memref_squeeze %dma_wait3A_378 : memref<1x8x2048xf32, #tpu.memory_space<hbm>> -> memref<8x2048xf32, #tpu.memory_space<hbm>>
    %dma_wait3A_380 = tpu.memref_slice %arg4[%dma_wait3A_377, %mul3A_18, %mul3A_34] : memref<4x64x8192xf32, #tpu.memory_space<hbm>> -> memref<1x8x2048xf32, #tpu.memory_space<hbm>>
    %dma_wait3A_381 = tpu.memref_squeeze %dma_wait3A_380 : memref<1x8x2048xf32, #tpu.memory_space<hbm>> -> memref<8x2048xf32, #tpu.memory_space<hbm>>
    tpu.wait_dma2 semaphore(%arg20 : memref<!tpu.dma_semaphore, #tpu.memory_space<semaphore_mem>>) src(%arg6 : memref<8x2048xf32, #tpu.memory_space<vmem>>) dst(%dma_wait3A_381 : memref<8x2048xf32, #tpu.memory_space<hbm>>)
    %dma_wait3A_382 = arith.constant 2 : i32
    %dma_wait3A_383 = tpu.memref_slice %arg4[%dma_wait3A_382, %mul3A_18, %mul3A_34] : memref<4x64x8192xf32, #tpu.memory_space<hbm>> -> memref<1x8x2048xf32, #tpu.memory_space<hbm>>
    %dma_wait3A_384 = tpu.memref_squeeze %dma_wait3A_383 : memref<1x8x2048xf32, #tpu.memory_space<hbm>> -> memref<8x2048xf32, #tpu.memory_space<hbm>>
    %dma_wait3A_385 = tpu.memref_slice %arg4[%dma_wait3A_382, %mul3A_18, %mul3A_34] : memref<4x64x8192xf32, #tpu.memory_space<hbm>> -> memref<1x8x2048xf32, #tpu.memory_space<hbm>>
    %dma_wait3A_386 = tpu.memref_squeeze %dma_wait3A_385 : memref<1x8x2048xf32, #tpu.memory_space<hbm>> -> memref<8x2048xf32, #tpu.memory_space<hbm>>
    tpu.wait_dma2 semaphore(%arg21 : memref<!tpu.dma_semaphore, #tpu.memory_space<semaphore_mem>>) src(%arg7 : memref<8x2048xf32, #tpu.memory_space<vmem>>) dst(%dma_wait3A_386 : memref<8x2048xf32, #tpu.memory_space<hbm>>)
    %dma_wait3A_387 = arith.constant 3 : i32
    %dma_wait3A_388 = tpu.memref_slice %arg4[%dma_wait3A_387, %mul3A_18, %mul3A_34] : memref<4x64x8192xf32, #tpu.memory_space<hbm>> -> memref<1x8x2048xf32, #tpu.memory_space<hbm>>
    %dma_wait3A_389 = tpu.memref_squeeze %dma_wait3A_388 : memref<1x8x2048xf32, #tpu.memory_space<hbm>> -> memref<8x2048xf32, #tpu.memory_space<hbm>>
    %dma_wait3A_390 = tpu.memref_slice %arg4[%dma_wait3A_387, %mul3A_18, %mul3A_34] : memref<4x64x8192xf32, #tpu.memory_space<hbm>> -> memref<1x8x2048xf32, #tpu.memory_space<hbm>>
    %dma_wait3A_391 = tpu.memref_squeeze %dma_wait3A_390 : memref<1x8x2048xf32, #tpu.memory_space<hbm>> -> memref<8x2048xf32, #tpu.memory_space<hbm>>
    tpu.wait_dma2 semaphore(%arg22 : memref<!tpu.dma_semaphore, #tpu.memory_space<semaphore_mem>>) src(%arg8 : memref<8x2048xf32, #tpu.memory_space<vmem>>) dst(%dma_wait3A_391 : memref<8x2048xf32, #tpu.memory_space<hbm>>)
    return
  }
}

</mosaic_0001>

<sc_bundles>
// kernel: kernel.3.cloned.1.call-start
scs
__scs_entry_jumppad:
0x0: {  	(pc) =	sbr.rel $0x88, $3  }
0x1: {  	(tag) =	ssettag $0x0;
	lr =	simm.s32 $0x1  }
0x2: {  	[smem:$0x3F9F] =	sst lr;
	_ =	strace $0xD0000000  }
0x3: {  	_ = 	snop  }
0x4: {  	_ = 	snop  }
0x5: {  	_ = 	snop  }
0x6: {  	_ = 	snop  }
0x7: {  	_ = 	snop  }
__scs_overlays_trampoline_lowered:
0x8: {  	[smem:$0x3FAE] =	sst s0  }
0x9: {  	[smem:$0x3FAF] =	sst s1  }
0xa: {  	[smem:$0x3FB0] =	sst s2  }
0xb: {  	[smem:$0x3FB1] =	sst s3  }
0xc: {  	[smem:$0x3FB2] =	sst s4  }
0xd: {  	[smem:$0x3FB3] =	sst s5  }
0xe: {  	[smem:$0x3FB4] =	sst s6  }
0xf: {  	[smem:$0x3FB5] =	sst s7  }
0x10: {  	[smem:$0x3FB6] =	sst s8  }
0x11: {  	[smem:$0x3FB7] =	sst s9;
	s0 =	simm.s32 @!p0 $0x0  }
0x12: {  	s1 =	sld [smem:$0x3F9D];
	s0 =	simm.s32 @p0 $0x1  }
0x13: {  	[smem:$0x3FB8] =	sst s0;
	s0 =	simm.s32 @!p1 $0x0  }
0x14: {  	s2 =	sld [smem:$0x3F9C];
	s0 =	simm.s32 @p1 $0x1  }
0x15: {  	[smem:$0x3FB9] =	sst s0;
	s0 =	simm.s32 @!p2 $0x0  }
0x16: {  	s3 =	sld [smem:$0x3FDB];
	s0 =	simm.s32 @p2 $0x1  }
0x17: {  	s4 =	simm.s32 $0x1BF5;
	[smem:$0x3FBB] =	sst s0  }
0x18: {  	s0 =	sld [smem:$0x3F9E];
	_ =	swait.ge [sflag:s4], $0x0  }
0x19: {  	s7 =	sld [smem:$0x3F9F]  }
0x1a: {  	s8 =	sadd.s32 $0xFFFFE003, lr  }
0x1b: {  	s9 =	sadd.s32 $0xFFFFFEF7, lr;
	s5 =	simm.s32 $0xFFFFFFFF;
	p2 =	slt.u32 s8, $0xFFFFF086  }
0x1c: {  	p1 =	slt.u32 s9, $0xF7A;
	s5 =	simm.s32 @!p2 $0x0  }
0x1d: {  	s5 =	simm.s32 @p1 $0x1;
	p0 =	seq.s32 s7, s2  }
0x1e: {  	s7 =	smul.u32 @!p0 $0xF7A, s2;
	p2 =	seq.s32 @!p0 s5, $0x0  }
0x1f: {  	s9 =	smul.u32 $0xF7A, s1;
	s8 =	simm.s32 @!p0 $0x1BF5;
	p2 =	por !p2, p0  }
0x20: {  	[sflag:s8] =	ssyncset.s32 @!p0 $0xFFFFF086;
	s6 =	sadd.s32 @!p0 s3, s7;
	s7 =	simm.s32 @!p0 $0x108  }
0x21: {  	s3 =	sadd.s32 s3, s9;
	s6 =	sadd.s32 @!p0 $0x88, s6;
	s7 =	simm.s32 @p2 $0x1082  }
0x22: {  	[simem:s7], [sflag:s8] =	dma.local @!p0 [hbm:s6], $0xF7A  }
0x23: {  	s9 =	sor.u32 $0xD0000000, s2;
	s6 =	simm.s32 $0x108;
	_ =	swait.ge @!p0 [sflag:s8], $0x0  }
0x24: {  	s3 =	sadd.s32 $0x88, s3;
	s6 =	simm.s32 @!p1 $0x1082;
	[sflag:s4] =	ssyncset.s32 $0xFFFFF086  }
0x25: {  	[simem:s6], [sflag:s4] =	dma.local [hbm:s3], $0xF7A  }
0x26: {  	[smem:$0x3F9F] =	sst s1;
	(tag) =	ssettag s2;
	_ =	strace s9  }
0x27: {  	s1 =	sld [smem:$0x3FAF]  }
0x28: {  	s2 =	sld [smem:$0x3FB0]  }
0x29: {  	s4 =	sld [smem:$0x3FB2]  }
0x2a: {  	p0 =	seq.s32 s5, $0x0;
	s5 =	sld [smem:$0x3FB3]  }
0x2b: {  	s6 =	sld [smem:$0x3FB4]  }
0x2c: {  	s7 =	sld [smem:$0x3FB5]  }
0x2d: {  	s3 =	simm.s32 $0x108;
	s8 =	sld [smem:$0x3FB6]  }
0x2e: {  	s3 =	simm.s32 @!p0 $0x1082;
	s9 =	sld [smem:$0x3FB7]  }
0x2f: {  	lr =	sadd.s32 s0, s3;
	s0 =	sld [smem:$0x3FAE]  }
0x30: {  	s3 =	sld [smem:$0x3FB1]  }
0x31: {  	[smem:$0x3FBA] =	sst s10  }
0x32: {  	s10 =	sld [smem:$0x3FB8];
	_ =	sdelay $0x3  }
0x33: {  	p0 =	seq.s32 s10, $0x1;
	s10 =	sld [smem:$0x3FBA];
	_ =	sdelay $0x3  }
0x34: {  	[smem:$0x3FBA] =	sst s10  }
0x35: {  	s10 =	sld [smem:$0x3FB9];
	_ =	sdelay $0x3  }
0x36: {  	p1 =	seq.s32 s10, $0x1;
	s10 =	sld [smem:$0x3FBA];
	_ =	sdelay $0x3  }
0x37: {  	[smem:$0x3FBA] =	sst s10  }
0x38: {  	s10 =	sld [smem:$0x3FBB]  }
0x39: {  	_ = 	snop;
	(pc) =	sbr.ind lr, $3  }
0x3a: {  	_ = 	snop  }
0x3b: {  	_ = 	snop  }
0x3c: {  	p2 =	seq.s32 s10, $0x1;
	s10 =	sld [smem:$0x3FBA]  }
0x3d: {  	_ =	shalt  }
0x3e: {  	_ =	shalt  }
0x3f: {  	_ =	shalt  }
0x40: {  	_ =	shalt  }
0x41: {  	_ =	shalt  }
0x42: {  	_ =	shalt  }
0x43: {  	_ =	shalt  }
0x44: {  	_ =	shalt  }
0x45: {  	_ =	shalt  }
0x46: {  	_ =	shalt  }
0x47: {  	_ =	shalt  }
0x48: {  	_ =	shalt  }
0x49: {  	_ =	shalt  }
0x4a: {  	_ =	shalt  }
0x4b: {  	_ =	shalt  }
0x4c: {  	_ =	shalt  }
0x4d: {  	_ =	shalt  }
0x4e: {  	_ =	shalt  }
0x4f: {  	_ =	shalt  }
0x50: {  	_ =	shalt  }
0x51: {  	_ =	shalt  }
0x52: {  	_ =	shalt  }
0x53: {  	_ =	shalt  }
0x54: {  	_ =	shalt  }
0x55: {  	_ =	shalt  }
0x56: {  	_ =	shalt  }
0x57: {  	_ =	shalt  }
0x58: {  	_ =	shalt  }
0x59: {  	_ =	shalt  }
0x5a: {  	_ =	shalt  }
0x5b: {  	_ =	shalt  }
0x5c: {  	_ =	shalt  }
0x5d: {  	_ =	shalt  }
0x5e: {  	_ =	shalt  }
0x5f: {  	_ =	shalt  }
0x60: {  	_ =	shalt  }
0x61: {  	_ =	shalt  }
0x62: {  	_ =	shalt  }
0x63: {  	_ =	shalt  }
0x64: {  	_ =	shalt  }
0x65: {  	_ =	shalt  }
0x66: {  	_ =	shalt  }
0x67: {  	_ =	shalt  }
0x68: {  	_ =	shalt  }
0x69: {  	_ =	shalt  }
0x6a: {  	_ =	shalt  }
0x6b: {  	_ =	shalt  }
0x6c: {  	_ =	shalt  }
0x6d: {  	_ =	shalt  }
0x6e: {  	_ =	shalt  }
0x6f: {  	_ =	shalt  }
0x70: {  	_ =	shalt  }
0x71: {  	_ =	shalt  }
0x72: {  	_ =	shalt  }
0x73: {  	_ =	shalt  }
0x74: {  	_ =	shalt  }
0x75: {  	_ =	shalt  }
0x76: {  	_ =	shalt  }
0x77: {  	_ =	shalt  }
0x78: {  	_ =	shalt  }
0x79: {  	_ =	shalt  }
0x7a: {  	_ =	shalt  }
0x7b: {  	_ =	shalt  }
0x7c: {  	_ =	shalt  }
0x7d: {  	_ =	shalt  }
0x7e: {  	_ =	shalt  }
0x7f: {  	_ =	shalt  }
0x80: {  	_ =	shalt  }
0x81: {  	_ =	shalt  }
0x82: {  	_ =	shalt  }
0x83: {  	_ =	shalt  }
0x84: {  	_ =	shalt  }
0x85: {  	_ =	shalt  }
0x86: {  	_ =	shalt  }
0x87: {  	_ =	shalt  }
.Lfunc_end0:
.L_simem_size_0:
called_computation_lowered:
.L_overlay_start_0:
0x88: {  	s2 =	sld [smem:$0x3FD9]  }
0x89: {  	s3 =	sld [smem:$0x3FFE];
	_ =	sdelay $0x1  }
0x8a: {  	s1 =	srdreg.scid  }
0x8b: {  	s0 =	sand.u32 $0x1, s1  }
0x8c: {  	s18 =	sshll.u32 s0, $0xA;
	s2 =	sadd.s32 s3, s2  }
0x8d: {  	s2 =	sadd.s32 s2, s18  }
0x8e: {  	[smem:$0x3FC6] =	sst s2  }
0x8f: {  	_ = 	snop  }
0x90: {  	s2 =	sld [smem:$0x3FC9]  }
0x91: {  	s19 =	sld [smem:$0x3FC8]  }
0x92: {  	s4 =	sld [smem:$0x3FD0];
	(tm) =	ssettm $0x1  }
0x93: {  	s5 =	sld [smem:$0x3FFB];
	_ =	sdelay $0x3  }
0x94: {  	_ =	strace s5  }
0x95: {  	s5 =	sld [smem:$0x3FFC];
	_ =	sdelay $0x3  }
0x96: {  	_ =	strace s5  }
0x97: {  	s5 =	sld [smem:$0x3FFD];
	_ =	sdelay $0x3  }
0x98: {  	_ =	strace s5  }
0x99: {  	_ =	strace $0x8FFFFFFF  }
0x9a: {  	s20 =	sld [smem:$0x3FDB];
	_ =	sdelay $0x1  }
0x9b: {  	s6 =	simm.s32 $_scs_section_size  }
0x9c: {  	s7 =	simm.s32 $_size__tile_overlayer_lowered;
	s8 =	simm.s32 $_tile_overlayer_lowered  }
0x9d: {  	s23 =	simm.s32 $0x1BFF;
	s22 =	sshll.u32 s8, $0x1;
	s5 =	sadd.s32 s6, s20  }
0x9e: {  	s9 =	simm.s32 $0x0;
	s21 =	sshll.u32 s7, $0x1;
	s7 =	sadd.s32 s22, s5  }
0x9f: {  	[timem:s9], [sflag:s23] =	dma.local [hbm:s7], s21  }
0xa0: {  	_ =	swait.ge [sflag:s23], s21  }
0xa1: {  	s6 =	ssub.s32 $0x0, s21;
	[sflag:s23] =	ssyncset.done $0x0  }
0xa2: {  	[sflag:s23] =	ssyncadd.s32 s6;
	_ =	sdelay $0x1  }
0xa3: {  	s24 =	simm.s32 $0x1B8B  }
0xa4: {  	_ =	swait.ge [sflag:s24], $0x1  }
0xa5: {  	[sflag:s24] =	ssyncset.done $0x0  }
0xa6: {  	s25 =	simm.s32 $0x1B8E;
	[sflag:s24] =	ssyncadd.s32 $0xFFFFFFFF  }
0xa7: {  	s26 =	simm.s32 $execute0_lowered;
	[smem:$0x3FD2] =	sst s25  }
0xa8: {  	s6 =	sshll.u32 s26, $0x1;
	_ =	strace $0x80000046;
	[dreg:$0x1] =	wrdreg $0xFFFFFFFF  }
0xa9: {  	s28 =	simm.s32 $_size_execute0_lowered;
	s5 =	sadd.s32 s5, s6;
	[dreg:$0x0] =	wrdreg $0x0  }
0xaa: {  	s6 =	sshll.u32 s28, $0x1;
	[dreg:$0x2] =	wrdreg s5  }
0xab: {  	[dreg:$0x3] =	wrdreg s6  }
0xac: {  	[dreg:$0x4] =	wrdreg $0xC0  }
0xad: {  	_ =	task [dreg:s9], $0x5FFFF  }
0xae: {  	[dreg:$0x1] =	wrdreg $0xFFFFFFFF  }
0xaf: {  	[dreg:$0x0] =	wrdreg $0x60  }
0xb0: {  	[dreg:$0x2] =	wrdreg s2  }
0xb1: {  	[dreg:$0x3] =	wrdreg s19  }
0xb2: {  	[dreg:$0x4] =	wrdreg s4  }
0xb3: {  	[dreg:$0x5] =	wrdreg $0x9  }
0xb4: {  	_ =	task.clear_ibuf [dreg:s9], $0x6FFFF;
	_ =	strace $0x90000046  }
0xb5: {  	s29 =	simm.s32 $0x9;
	_ =	strace $0x80000048  }
0xb6: {  	_ =	swait.ge [sflag:s29], $0x1  }
0xb7: {  	[sflag:s29] =	ssyncadd.s32 $0xFFFFFFFF  }
0xb8: {  	_ =	strace $0x90000048  }
0xb9: {  	_ =	sfence  }
0xba: {  	s30 =	sld [smem:$0x0];
	_ =	sdelay $0x2  }
0xbb: {  	s31 =	sshll.u32 s1, $0xD;
	s1 =	sshrl.u32 s1, $0x2  }
0xbc: {  	s3 =	sand.u32 $0x4000, s31;
	s1 =	sadd.s32 s1, s30  }
0xbd: {  	s0 =	sor.u32 s3, s0;
	s1 =	sshll.u32 s1, $0x11  }
0xbe: {  	s0 =	sor.u32 s1, s0  }
0xbf: {  	s0 =	sadd.s32 $0x8F2B, s0  }
0xc0: {  	[sflag:s0] =	ssyncadd.remote.s32 $0x1  }
0xc1: {  	_ =	sfence.sel $0xFFFF  }
0xc2: {  	[dreg:$0x0] =	wrdreg $0xFFFFFFFF;
	(pc) =	sbr.abs _section_cstart, $3  }
0xc3: {  	[dreg:$0x1] =	wrdreg $0xFFFFFFFF  }
0xc4: {  	_ =	task.clear_ibuf [dreg:s9], $0x2FFFF;
	_ =	strace $0x9FFFFFFF  }
0xc5: {  	(tm) =	ssettm $0x7FFFFFFF  }
tec
execute0_lowered:
.L_overlay_start_1:
0x0: {  	(tag) =	ssettag $0x1  }
0x1: {  	s0 =	rddreg [dreg:$0x0]  }
0x2: {  	s1 =	rddreg [dreg:$0x1]  }
0x3: {  	s2 =	simm.s32 $0x0;
	s6 =	stileid.u32;
	s4 =	srdreg.scid  }
0x4: {  	[smem:$0x7FF] =	sst s2;
	s5 =	sshll.u32 s6, $0x1;
	s6 =	sshrl.u32 s6, $0x1  }
0x5: {  	s4 =	sand.u32 $0x1, s4;
	s5 =	sand.u32 $0x2, s5;
	s7 =	smul.u32 $0x2780, s6  }
0x6: {  	s3 =	rddreg [dreg:$0x2];
	_ =	strace $0x80000047;
	s5 =	sor.u32 s4, s5  }
0x7: {  	s6 =	sshll.u32 s6, $0xD;
	s5 =	sshll.u32 s5, $0xB;
	s1 =	sadd.s32 s1, s7  }
0x8: {  	s4 =	ssub.s32 $0x2, s4;
	s6 =	sor.u32 s6, s5;
	s1 =	sadd.s32 s5, s1  }
0x9: {  	s8 =	sshrl.u32 s4, $0x1;
	[dreg:$0x4] =	wrdreg s1;
	s12 =	sadd.s32 s0, s6  }
0xa: {  	s4 =	ssub.s32 s4, s8;
	s20 =	sadd.s32 s3, s6;
	[dreg:$0x5] =	wrdreg s12  }
0xb: {  	s11 =	sor.u32 $0x400, s6;
	s31 =	smax.u32 s4, $0x1;
	[dreg:$0xb] =	wrdreg s20  }
0xc: {  	s14 =	sor.u32 $0x10000, s6;
	s13 =	sadd.s32 s0, s11;
	[dreg:$0x15] =	wrdreg s31  }
0xd: {  	s16 =	sor.u32 $0x10400, s6;
	s15 =	sadd.s32 s0, s14;
	[dreg:$0x6] =	wrdreg s13  }
0xe: {  	s17 =	sor.u32 $0x20000, s6;
	s9 =	sadd.s32 s0, s16;
	[dreg:$0x7] =	wrdreg s15  }
0xf: {  	s19 =	sor.u32 $0x20400, s6;
	s18 =	sadd.s32 s0, s17;
	[dreg:$0x8] =	wrdreg s9  }
0x10: {  	s10 =	sadd.s32 s0, s19;
	[dreg:$0x9] =	wrdreg s18  }
0x11: {  	s21 =	sor.u32 $0x30000, s6;
	s1 =	sadd.s32 s3, s11;
	[dreg:$0xa] =	wrdreg s10  }
0x12: {  	s23 =	sor.u32 $0x30400, s6;
	s22 =	sadd.s32 s0, s21;
	[dreg:$0xc] =	wrdreg s1  }
0x13: {  	s7 =	simm.s32 $0xD;
	s0 =	sadd.s32 s0, s23;
	[dreg:$0xd] =	wrdreg s22  }
0x14: {  	s5 =	simm.s32 $0x5;
	s24 =	sadd.s32 s3, s14;
	[dreg:$0xe] =	wrdreg s0  }
0x15: {  	s8 =	simm.s32 $0x0;
	s25 =	sadd.s32 s3, s16;
	[dreg:$0xf] =	wrdreg s24  }
0x16: {  	s4 =	simm.s32 $0x8;
	s26 =	sadd.s32 s3, s17;
	[dreg:$0x10] =	wrdreg s25  }
0x17: {  	s6 =	simm.s32 $0x9;
	s28 =	sadd.s32 s3, s19;
	[dreg:$0x11] =	wrdreg s26  }
0x18: {  	s29 =	sadd.s32 s3, s21;
	s30 =	sadd.s32 s3, s23;
	[dreg:$0x12] =	wrdreg s28  }
0x19: {  	s3 =	simm.s32 $0x4;
	s23 =	simm.s32 $0xB;
	[dreg:$0x13] =	wrdreg s29  }
0x1a: {  	[dreg:$0x14] =	wrdreg s30;
	s22 =	simm.s32 $0xA;
	s24 =	simm.s32 $0xC  }
.LBB2_1:
0x1b: {  	s0 =	rddreg [dreg:$0x4];
	s1 =	simm.s32 $0x10000  }
0x1c: {  	[tilespmem:s1], [sflag:$0x1] =	stream.linear.gather [hbm4b:s0+s2], $0x4000, $0x38;
	[tilespmem:$0x14000] =	vst v63  }
0x1d: {  	s21 =	rddreg [dreg:$0x5]  }
0x1e: {  	[tilespmem:s2], [sflag:$0x2] =	stream.linear.gather [hbm4b:s21+s2], $0x2000, $0x38;
	[tilespmem:$0x14000] =	vst v63  }
0x1f: {  	s25 =	rddreg [dreg:$0x6];
	s26 =	simm.s32 $0x2000  }
0x20: {  	[tilespmem:s26], [sflag:$0x6] =	stream.linear.gather [hbm4b:s25+s2], $0x2000, $0x38;
	[tilespmem:$0x14000] =	vst v63  }
0x21: {  	s29 =	rddreg [dreg:$0x7];
	s30 =	simm.s32 $0x4000  }
0x22: {  	[tilespmem:s30], [sflag:$0x3] =	stream.linear.gather [hbm4b:s29+s2], $0x2000, $0x38;
	[tilespmem:$0x14000] =	vst v63  }
0x23: {  	s9 =	rddreg [dreg:$0x8];
	s10 =	simm.s32 $0x6000;
	s11 =	simm.s32 $0x1  }
0x24: {  	[tilespmem:s10], [sflag:$0x7] =	stream.linear.gather [hbm4b:s9+s2], $0x2000, $0x38;
	[tilespmem:$0x14000] =	vst v63  }
0x25: {  	_ =	swait.ge [sflag:s11], $0x4000  }
0x26: {  	s13 =	simm.s32 $0x8000;
	[sflag:s11] =	ssyncset.done $0x0  }
0x27: {  	s15 =	simm.s32 $0xA000;
	s12 =	rddreg [dreg:$0x9];
	[sflag:s11] =	ssyncadd.s32 $0xFFFFC000  }
0x28: {  	[tilespmem:s13], [sflag:$0x4] =	stream.linear.gather [hbm4b:s12+s2], $0x2000, $0x38;
	[tilespmem:$0x14000] =	vst v63  }
0x29: {  	s16 =	sand.u32 $0x3, s2;
	s17 =	simm.s32 $0x2;
	s14 =	rddreg [dreg:$0xa]  }
0x2a: {  	[tilespmem:s15], [sflag:$0x8] =	stream.linear.gather [hbm4b:s14+s2], $0x2000, $0x38;
	[tilespmem:$0x14000] =	vst v63  }
0x2b: {  	s0 =	sshll.u32 s16, $0xB;
	_ =	swait.ge [sflag:s17], $0x2000  }
0x2c: {  	s0 =	sadd.s32 $0x0, s0;
	[sflag:s17] =	ssyncset.done $0x0  }
0x2d: {  	s9 =	sor.u32 $0x470, s0;
	[sflag:s17] =	ssyncadd.s32 $0xFFFFE000  }
0x2e: {  	s10 =	sor.u32 $0x60, s0;
	v0 =	vld [tilespmem:s9+$0x10000]  }
0x2f: {  	s11 =	sor.u32 $0x70, s0;
	v4 =	vld [tilespmem:s10+$0x10000]  }
0x30: {  	s26 =	sand.u32 $0x380, s2;
	s0 =	sor.u32 $0x460, s0;
	s12 =	sand.u32 $0x1800, s2;
	v5 =	vld [tilespmem:s11+$0x10000]  }
0x31: {  	s28 =	sor.u32 s26, s12;
	v6 =	vld [tilespmem:s0+$0x10000]  }
0x32: {  	v7 =	vld [tilespmem:s28+$0x10000]  }
0x33: {  	v8 =	vld [tilespmem:s28+$0x10010]  }
0x34: {  	v9 =	vld [tilespmem:s28+$0x10020]  }
0x35: {  	v10 =	vld [tilespmem:s28+$0x10030]  }
0x36: {  	v11 =	vld [tilespmem:s28+$0x10040]  }
0x37: {  	v12 =	vld [tilespmem:s28+$0x10050]  }
0x38: {  	v13 =	vld [tilespmem:s28+$0x10400]  }
0x39: {  	v14 =	vld [tilespmem:s28+$0x10410]  }
0x3a: {  	v3 =	vld [tilespmem:s28+$0x10420]  }
0x3b: {  	v2 =	vld [tilespmem:s28+$0x10430]  }
0x3c: {  	v1 =	vld [tilespmem:s28+$0x10440]  }
0x3d: {  	[tilespmem:s9+$0x0] =	vst.add.f32.msk $0xffff, v0  }
0x3e: {  	v0 =	vld [tilespmem:s28+$0x10450]  }
0x3f: {  	[tilespmem:s10+$0x0] =	vst.add.f32.msk $0xffff, v4  }
0x40: {  	[tilespmem:s11+$0x0] =	vst.add.f32.msk $0xffff, v5  }
0x41: {  	[tilespmem:s0+$0x0] =	vst.add.f32.msk $0xffff, v6  }
0x42: {  	s18 =	sor.u32 $0x10, s28;
	[tilespmem:s28+$0x0] =	vst.add.f32.msk $0xffff, v7  }
0x43: {  	s19 =	sor.u32 $0x20, s28;
	[tilespmem:s18+$0x0] =	vst.add.f32.msk $0xffff, v8  }
0x44: {  	s20 =	sor.u32 $0x30, s28;
	[tilespmem:s19+$0x0] =	vst.add.f32.msk $0xffff, v9  }
0x45: {  	s21 =	sor.u32 $0x40, s28;
	[tilespmem:s20+$0x0] =	vst.add.f32.msk $0xffff, v10  }
0x46: {  	s26 =	simm.s32 $0x0;
	s25 =	sor.u32 $0x50, s28;
	[tilespmem:s21+$0x0] =	vst.add.f32.msk $0xffff, v11  }
0x47: {  	s29 =	sor.u32 $0x400, s28;
	s30 =	sor.u32 $0x410, s28;
	s12 =	sor.u32 $0x420, s28;
	[tilespmem:s25+$0x0] =	vst.add.f32.msk $0xffff, v12  }
0x48: {  	s31 =	sor.u32 $0x450, s28;
	s0 =	sor.u32 $0x430, s28;
	s11 =	sor.u32 $0x440, s28;
	[tilespmem:s29+$0x0] =	vst.add.f32.msk $0xffff, v13  }
0x49: {  	[tilespmem:s30+$0x0] =	vst.add.f32.msk $0xffff, v14;
	s28 =	simm.s32 $0x1;
	s9 =	simm.s32 $0x0;
	s10 =	simm.s32 $0x0  }
.LBB2_2:
0x4a: {  	s13 =	sand.u32 $0x3, s28;
	s26 =	sadd.s32 $0x10, s26;
	[tilespmem:s12+$0x0] =	vst.add.f32.msk $0xffff, v3;
	s9 =	sadd.s32 $0x800, s9  }
0x4b: {  	s10 =	sadd.s32 $0x20, s10;
	s12 =	sshll.u32 s13, $0xB;
	p0 =	slt.u32 s26, $0x1F0;
	[tilespmem:s0+$0x0] =	vst.add.f32.msk $0xffff, v2  }
0x4c: {  	s13 =	sand.u32 $0x380, s10;
	s0 =	sadd.s32 s12, s10;
	s12 =	sand.u32 $0x1800, s9;
	[tilespmem:s11+$0x0] =	vst.add.f32.msk $0xffff, v1  }
0x4d: {  	s14 =	sor.u32 $0x60, s0;
	s15 =	sor.u32 $0x70, s0;
	s16 =	sor.u32 $0x470, s0;
	[tilespmem:s31+$0x0] =	vst.add.f32.msk $0xffff, v0  }
0x4e: {  	s13 =	sor.u32 s13, s12;
	s17 =	sor.u32 $0x460, s0;
	v0 =	vld [tilespmem:s16+$0x10000]  }
0x4f: {  	s18 =	sor.u32 $0x10, s13;
	s19 =	sor.u32 $0x20, s13;
	s20 =	sor.u32 $0x30, s13;
	v4 =	vld [tilespmem:s14+$0x10000]  }
0x50: {  	s25 =	sor.u32 $0x40, s13;
	s29 =	sor.u32 $0x50, s13;
	s30 =	sor.u32 $0x400, s13;
	v5 =	vld [tilespmem:s15+$0x10000]  }
0x51: {  	s1 =	sor.u32 $0x410, s13;
	s12 =	sor.u32 $0x420, s13;
	s0 =	sor.u32 $0x430, s13;
	v6 =	vld [tilespmem:s17+$0x10000]  }
0x52: {  	s11 =	sor.u32 $0x440, s13;
	s31 =	sor.u32 $0x450, s13;
	v7 =	vld [tilespmem:s13+$0x10000]  }
0x53: {  	[tilespmem:s16+$0x0] =	vst.add.f32.msk $0xffff, v0  }
0x54: {  	v8 =	vld [tilespmem:s13+$0x10010]  }
0x55: {  	v9 =	vld [tilespmem:s13+$0x10020]  }
0x56: {  	v10 =	vld [tilespmem:s13+$0x10030]  }
0x57: {  	v11 =	vld [tilespmem:s13+$0x10040]  }
0x58: {  	v12 =	vld [tilespmem:s13+$0x10050]  }
0x59: {  	v13 =	vld [tilespmem:s13+$0x10400]  }
0x5a: {  	v14 =	vld [tilespmem:s13+$0x10410]  }
0x5b: {  	v3 =	vld [tilespmem:s13+$0x10420]  }
0x5c: {  	v2 =	vld [tilespmem:s13+$0x10430]  }
0x5d: {  	v1 =	vld [tilespmem:s13+$0x10440]  }
0x5e: {  	v0 =	vld [tilespmem:s13+$0x10450]  }
0x5f: {  	[tilespmem:s14+$0x0] =	vst.add.f32.msk $0xffff, v4  }
0x60: {  	[tilespmem:s15+$0x0] =	vst.add.f32.msk $0xffff, v5  }
0x61: {  	[tilespmem:s17+$0x0] =	vst.add.f32.msk $0xffff, v6  }
0x62: {  	[tilespmem:s13+$0x0] =	vst.add.f32.msk $0xffff, v7  }
0x63: {  	[tilespmem:s18+$0x0] =	vst.add.f32.msk $0xffff, v8  }
0x64: {  	[tilespmem:s19+$0x0] =	vst.add.f32.msk $0xffff, v9  }
.Ltmp0:
0x65: {  	[tilespmem:s20+$0x0] =	vst.add.f32.msk $0xffff, v10;
	(pc) =	sbr.rel @p0 .LBB2_2-.Ltmp0, $4  }
0x66: {  	[tilespmem:s25+$0x0] =	vst.add.f32.msk $0xffff, v11  }
0x67: {  	[tilespmem:s29+$0x0] =	vst.add.f32.msk $0xffff, v12  }
0x68: {  	[tilespmem:s30+$0x0] =	vst.add.f32.msk $0xffff, v13  }
0x69: {  	s28 =	sadd.s32 $0x1, s28;
	[tilespmem:s1+$0x0] =	vst.add.f32.msk $0xffff, v14  }
0x6a: {  	[tilespmem:s12+$0x0] =	vst.add.f32.msk $0xffff, v3  }
0x6b: {  	[tilespmem:s0+$0x0] =	vst.add.f32.msk $0xffff, v2  }
0x6c: {  	[tilespmem:s11+$0x0] =	vst.add.f32.msk $0xffff, v1  }
0x6d: {  	[tilespmem:s31+$0x0] =	vst.add.f32.msk $0xffff, v0;
	s26 =	simm.s32 $0x0  }
0x6e: {  	s1 =	simm.s32 $0x6;
	s0 =	rddreg [dreg:$0xb];
	s13 =	sand.u32 $0x3, s26  }
0x6f: {  	[hbm4b:s0+s26] =	stream.linear.scatter [tilespmem:s26], [sflag:$0xA], $0x2000, $0x38;
	[tilespmem:$0x14000] =	vst v63  }
0x70: {  	s0 =	sshll.u32 s13, $0xB;
	_ =	swait.ge [sflag:s1], $0x2000  }
0x71: {  	s0 =	sadd.s32 $0x0, s0;
	[sflag:s1] =	ssyncset.done $0x0  }
0x72: {  	s14 =	sor.u32 $0x2470, s0;
	[sflag:s1] =	ssyncadd.s32 $0xFFFFE000  }
0x73: {  	s9 =	sor.u32 $0x2060, s0;
	v0 =	vld [tilespmem:s14+$0x10000]  }
0x74: {  	s10 =	sor.u32 $0x2070, s0;
	v4 =	vld [tilespmem:s9+$0x10000]  }
0x75: {  	s15 =	sand.u32 $0x1800, s26;
	s16 =	sand.u32 $0x380, s26;
	s0 =	sor.u32 $0x2460, s0;
	v5 =	vld [tilespmem:s10+$0x10000]  }
0x76: {  	s13 =	sor.u32 s16, s15;
	v6 =	vld [tilespmem:s0+$0x10000]  }
0x77: {  	v7 =	vld [tilespmem:s13+$0x12000]  }
0x78: {  	v8 =	vld [tilespmem:s13+$0x12010]  }
0x79: {  	v9 =	vld [tilespmem:s13+$0x12020]  }
0x7a: {  	v10 =	vld [tilespmem:s13+$0x12030]  }
0x7b: {  	v11 =	vld [tilespmem:s13+$0x12040]  }
0x7c: {  	v12 =	vld [tilespmem:s13+$0x12050]  }
0x7d: {  	v13 =	vld [tilespmem:s13+$0x12400]  }
0x7e: {  	v14 =	vld [tilespmem:s13+$0x12410]  }
0x7f: {  	v3 =	vld [tilespmem:s13+$0x12420]  }
0x80: {  	v2 =	vld [tilespmem:s13+$0x12430]  }
0x81: {  	v1 =	vld [tilespmem:s13+$0x12440]  }
0x82: {  	[tilespmem:s14+$0x0] =	vst.add.f32.msk $0xffff, v0  }
0x83: {  	v0 =	vld [tilespmem:s13+$0x12450]  }
0x84: {  	[tilespmem:s9+$0x0] =	vst.add.f32.msk $0xffff, v4  }
0x85: {  	[tilespmem:s10+$0x0] =	vst.add.f32.msk $0xffff, v5  }
0x86: {  	s17 =	sor.u32 $0x2000, s13;
	[tilespmem:s0+$0x0] =	vst.add.f32.msk $0xffff, v6  }
0x87: {  	s18 =	sor.u32 $0x2010, s13;
	[tilespmem:s17+$0x0] =	vst.add.f32.msk $0xffff, v7  }
0x88: {  	s19 =	sor.u32 $0x2020, s13;
	[tilespmem:s18+$0x0] =	vst.add.f32.msk $0xffff, v8  }
0x89: {  	s20 =	sor.u32 $0x2030, s13;
	[tilespmem:s19+$0x0] =	vst.add.f32.msk $0xffff, v9  }
0x8a: {  	s21 =	sor.u32 $0x2040, s13;
	[tilespmem:s20+$0x0] =	vst.add.f32.msk $0xffff, v10  }
0x8b: {  	s25 =	sor.u32 $0x2050, s13;
	[tilespmem:s21+$0x0] =	vst.add.f32.msk $0xffff, v11  }
0x8c: {  	s28 =	simm.s32 $0x0;
	s29 =	sor.u32 $0x2400, s13;
	s30 =	sor.u32 $0x2410, s13;
	[tilespmem:s25+$0x0] =	vst.add.f32.msk $0xffff, v12  }
0x8d: {  	s12 =	sor.u32 $0x2420, s13;
	s11 =	sor.u32 $0x2440, s13;
	s31 =	sor.u32 $0x2450, s13;
	[tilespmem:s29+$0x0] =	vst.add.f32.msk $0xffff, v13  }
0x8e: {  	s0 =	sor.u32 $0x2430, s13;
	[tilespmem:s30+$0x0] =	vst.add.f32.msk $0xffff, v14;
	s9 =	simm.s32 $0x1;
	s10 =	simm.s32 $0x0  }
.LBB2_4:
0x8f: {  	s1 =	sand.u32 $0x3, s9;
	s28 =	sadd.s32 $0x10, s28;
	[tilespmem:s12+$0x0] =	vst.add.f32.msk $0xffff, v3;
	s26 =	sadd.s32 $0x800, s26  }
0x90: {  	s10 =	sadd.s32 $0x20, s10;
	s1 =	sshll.u32 s1, $0xB;
	p0 =	slt.u32 s28, $0x1F0;
	[tilespmem:s0+$0x0] =	vst.add.f32.msk $0xffff, v2  }
0x91: {  	s12 =	sand.u32 $0x380, s10;
	s0 =	sadd.s32 s1, s10;
	s1 =	sand.u32 $0x1800, s26;
	[tilespmem:s11+$0x0] =	vst.add.f32.msk $0xffff, v1  }
0x92: {  	s13 =	sor.u32 $0x2060, s0;
	s14 =	sor.u32 $0x2070, s0;
	s15 =	sor.u32 $0x2470, s0;
	[tilespmem:s31+$0x0] =	vst.add.f32.msk $0xffff, v0  }
0x93: {  	s1 =	sor.u32 s12, s1;
	s16 =	sor.u32 $0x2460, s0;
	v0 =	vld [tilespmem:s15+$0x10000]  }
0x94: {  	s17 =	sor.u32 $0x2000, s1;
	s18 =	sor.u32 $0x2010, s1;
	s19 =	sor.u32 $0x2020, s1;
	v4 =	vld [tilespmem:s13+$0x10000]  }
0x95: {  	s20 =	sor.u32 $0x2030, s1;
	s25 =	sor.u32 $0x2040, s1;
	s29 =	sor.u32 $0x2050, s1;
	v5 =	vld [tilespmem:s14+$0x10000]  }
0x96: {  	s30 =	sor.u32 $0x2400, s1;
	s21 =	sor.u32 $0x2410, s1;
	s12 =	sor.u32 $0x2420, s1;
	v6 =	vld [tilespmem:s16+$0x10000]  }
0x97: {  	s0 =	sor.u32 $0x2430, s1;
	s11 =	sor.u32 $0x2440, s1;
	s31 =	sor.u32 $0x2450, s1;
	v7 =	vld [tilespmem:s1+$0x12000]  }
0x98: {  	[tilespmem:s15+$0x0] =	vst.add.f32.msk $0xffff, v0  }
0x99: {  	v8 =	vld [tilespmem:s1+$0x12010]  }
0x9a: {  	v9 =	vld [tilespmem:s1+$0x12020]  }
0x9b: {  	v10 =	vld [tilespmem:s1+$0x12030]  }
0x9c: {  	v11 =	vld [tilespmem:s1+$0x12040]  }
0x9d: {  	v12 =	vld [tilespmem:s1+$0x12050]  }
0x9e: {  	v13 =	vld [tilespmem:s1+$0x12400]  }
0x9f: {  	v14 =	vld [tilespmem:s1+$0x12410]  }
0xa0: {  	v3 =	vld [tilespmem:s1+$0x12420]  }
0xa1: {  	v2 =	vld [tilespmem:s1+$0x12430]  }
0xa2: {  	v1 =	vld [tilespmem:s1+$0x12440]  }
0xa3: {  	v0 =	vld [tilespmem:s1+$0x12450]  }
0xa4: {  	[tilespmem:s13+$0x0] =	vst.add.f32.msk $0xffff, v4  }
0xa5: {  	[tilespmem:s14+$0x0] =	vst.add.f32.msk $0xffff, v5  }
0xa6: {  	[tilespmem:s16+$0x0] =	vst.add.f32.msk $0xffff, v6  }
0xa7: {  	[tilespmem:s17+$0x0] =	vst.add.f32.msk $0xffff, v7  }
0xa8: {  	[tilespmem:s18+$0x0] =	vst.add.f32.msk $0xffff, v8  }
0xa9: {  	[tilespmem:s19+$0x0] =	vst.add.f32.msk $0xffff, v9  }
.Ltmp1:
0xaa: {  	[tilespmem:s20+$0x0] =	vst.add.f32.msk $0xffff, v10;
	(pc) =	sbr.rel @p0 .LBB2_4-.Ltmp1, $4  }
0xab: {  	[tilespmem:s25+$0x0] =	vst.add.f32.msk $0xffff, v11  }
0xac: {  	[tilespmem:s29+$0x0] =	vst.add.f32.msk $0xffff, v12  }
0xad: {  	[tilespmem:s30+$0x0] =	vst.add.f32.msk $0xffff, v13  }
0xae: {  	s9 =	sadd.s32 $0x1, s9;
	[tilespmem:s21+$0x0] =	vst.add.f32.msk $0xffff, v14  }
0xaf: {  	[tilespmem:s12+$0x0] =	vst.add.f32.msk $0xffff, v3  }
0xb0: {  	[tilespmem:s0+$0x0] =	vst.add.f32.msk $0xffff, v2  }
0xb1: {  	[tilespmem:s11+$0x0] =	vst.add.f32.msk $0xffff, v1  }
0xb2: {  	[tilespmem:s31+$0x0] =	vst.add.f32.msk $0xffff, v0  }
0xb3: {  	s26 =	simm.s32 $0x0;
	s1 =	simm.s32 $0x2000;
	s0 =	rddreg [dreg:$0xc]  }
0xb4: {  	[hbm4b:s0+s26] =	stream.linear.scatter [tilespmem:s1], [sflag:$0xA], $0x2000, $0x38;
	[tilespmem:$0x14000] =	vst v63  }
0xb5: {  	s9 =	simm.s32 $0xC000;
	s11 =	simm.s32 $0xE000;
	s1 =	rddreg [dreg:$0xd]  }
0xb6: {  	[tilespmem:s9], [sflag:$0x5] =	stream.linear.gather [hbm4b:s1+s26], $0x2000, $0x38;
	[tilespmem:$0x14000] =	vst v63  }
0xb7: {  	s13 =	simm.s32 $0x3;
	s10 =	rddreg [dreg:$0xe];
	s12 =	sand.u32 $0x3, s26  }
0xb8: {  	[tilespmem:s11], [sflag:$0x9] =	stream.linear.gather [hbm4b:s10+s26], $0x2000, $0x38;
	[tilespmem:$0x14000] =	vst v63  }
0xb9: {  	s0 =	sshll.u32 s12, $0xB;
	_ =	swait.ge [sflag:s13], $0x2000  }
0xba: {  	s0 =	sadd.s32 $0x0, s0;
	[sflag:s13] =	ssyncset.done $0x0  }
0xbb: {  	s14 =	sor.u32 $0x470, s0;
	[sflag:s13] =	ssyncadd.s32 $0xFFFFE000  }
0xbc: {  	s9 =	sor.u32 $0x60, s0;
	v0 =	vld [tilespmem:s14+$0x10000]  }
0xbd: {  	s10 =	sor.u32 $0x70, s0;
	v4 =	vld [tilespmem:s9+$0x10000]  }
0xbe: {  	s15 =	sand.u32 $0x1800, s26;
	s16 =	sand.u32 $0x380, s26;
	s0 =	sor.u32 $0x460, s0;
	v5 =	vld [tilespmem:s10+$0x10000]  }
0xbf: {  	s13 =	sor.u32 s16, s15;
	v6 =	vld [tilespmem:s0+$0x10000]  }
0xc0: {  	v7 =	vld [tilespmem:s13+$0x10000]  }
0xc1: {  	v8 =	vld [tilespmem:s13+$0x10010]  }
0xc2: {  	v9 =	vld [tilespmem:s13+$0x10020]  }
0xc3: {  	v10 =	vld [tilespmem:s13+$0x10030]  }
0xc4: {  	v11 =	vld [tilespmem:s13+$0x10040]  }
0xc5: {  	v12 =	vld [tilespmem:s13+$0x10050]  }
0xc6: {  	v13 =	vld [tilespmem:s13+$0x10400]  }
0xc7: {  	v14 =	vld [tilespmem:s13+$0x10410]  }
0xc8: {  	v3 =	vld [tilespmem:s13+$0x10420]  }
0xc9: {  	v2 =	vld [tilespmem:s13+$0x10430]  }
0xca: {  	v1 =	vld [tilespmem:s13+$0x10440]  }
0xcb: {  	[tilespmem:s14+$0x4000] =	vst.add.f32.msk $0xffff, v0  }
0xcc: {  	v0 =	vld [tilespmem:s13+$0x10450]  }
0xcd: {  	[tilespmem:s9+$0x4000] =	vst.add.f32.msk $0xffff, v4  }
0xce: {  	[tilespmem:s10+$0x4000] =	vst.add.f32.msk $0xffff, v5  }
0xcf: {  	s17 =	sor.u32 $0x4000, s13;
	[tilespmem:s0+$0x4000] =	vst.add.f32.msk $0xffff, v6  }
0xd0: {  	s18 =	sor.u32 $0x4010, s13;
	[tilespmem:s17+$0x0] =	vst.add.f32.msk $0xffff, v7  }
0xd1: {  	s19 =	sor.u32 $0x4020, s13;
	[tilespmem:s18+$0x0] =	vst.add.f32.msk $0xffff, v8  }
0xd2: {  	s20 =	sor.u32 $0x4030, s13;
	[tilespmem:s19+$0x0] =	vst.add.f32.msk $0xffff, v9  }
0xd3: {  	s21 =	sor.u32 $0x4040, s13;
	[tilespmem:s20+$0x0] =	vst.add.f32.msk $0xffff, v10  }
0xd4: {  	s25 =	sor.u32 $0x4050, s13;
	[tilespmem:s21+$0x0] =	vst.add.f32.msk $0xffff, v11  }
0xd5: {  	s28 =	simm.s32 $0x0;
	s29 =	sor.u32 $0x4400, s13;
	s30 =	sor.u32 $0x4410, s13;
	[tilespmem:s25+$0x0] =	vst.add.f32.msk $0xffff, v12  }
0xd6: {  	s12 =	sor.u32 $0x4420, s13;
	s11 =	sor.u32 $0x4440, s13;
	s31 =	sor.u32 $0x4450, s13;
	[tilespmem:s29+$0x0] =	vst.add.f32.msk $0xffff, v13  }
0xd7: {  	s0 =	sor.u32 $0x4430, s13;
	[tilespmem:s30+$0x0] =	vst.add.f32.msk $0xffff, v14;
	s9 =	simm.s32 $0x1;
	s10 =	simm.s32 $0x0  }
.LBB2_6:
0xd8: {  	s1 =	sand.u32 $0x3, s9;
	s28 =	sadd.s32 $0x10, s28;
	[tilespmem:s12+$0x0] =	vst.add.f32.msk $0xffff, v3;
	s26 =	sadd.s32 $0x800, s26  }
0xd9: {  	s10 =	sadd.s32 $0x20, s10;
	s1 =	sshll.u32 s1, $0xB;
	p0 =	slt.u32 s28, $0x1F0;
	[tilespmem:s0+$0x0] =	vst.add.f32.msk $0xffff, v2  }
0xda: {  	s12 =	sand.u32 $0x380, s10;
	s0 =	sadd.s32 s1, s10;
	s1 =	sand.u32 $0x1800, s26;
	[tilespmem:s11+$0x0] =	vst.add.f32.msk $0xffff, v1  }
0xdb: {  	s13 =	sor.u32 $0x60, s0;
	s14 =	sor.u32 $0x70, s0;
	s15 =	sor.u32 $0x470, s0;
	[tilespmem:s31+$0x0] =	vst.add.f32.msk $0xffff, v0  }
0xdc: {  	s1 =	sor.u32 s12, s1;
	s16 =	sor.u32 $0x460, s0;
	v0 =	vld [tilespmem:s15+$0x10000]  }
0xdd: {  	s17 =	sor.u32 $0x4000, s1;
	s18 =	sor.u32 $0x4010, s1;
	s19 =	sor.u32 $0x4020, s1;
	v4 =	vld [tilespmem:s13+$0x10000]  }
0xde: {  	s20 =	sor.u32 $0x4030, s1;
	s21 =	sor.u32 $0x4040, s1;
	s25 =	sor.u32 $0x4050, s1;
	v5 =	vld [tilespmem:s14+$0x10000]  }
0xdf: {  	s29 =	sor.u32 $0x4400, s1;
	s30 =	sor.u32 $0x4410, s1;
	s12 =	sor.u32 $0x4420, s1;
	v6 =	vld [tilespmem:s16+$0x10000]  }
0xe0: {  	s0 =	sor.u32 $0x4430, s1;
	s11 =	sor.u32 $0x4440, s1;
	s31 =	sor.u32 $0x4450, s1;
	v7 =	vld [tilespmem:s1+$0x10000]  }
0xe1: {  	[tilespmem:s15+$0x4000] =	vst.add.f32.msk $0xffff, v0  }
0xe2: {  	v8 =	vld [tilespmem:s1+$0x10010]  }
0xe3: {  	v9 =	vld [tilespmem:s1+$0x10020]  }
0xe4: {  	v10 =	vld [tilespmem:s1+$0x10030]  }
0xe5: {  	v11 =	vld [tilespmem:s1+$0x10040]  }
0xe6: {  	v12 =	vld [tilespmem:s1+$0x10050]  }
0xe7: {  	v13 =	vld [tilespmem:s1+$0x10400]  }
0xe8: {  	v14 =	vld [tilespmem:s1+$0x10410]  }
0xe9: {  	v3 =	vld [tilespmem:s1+$0x10420]  }
0xea: {  	v2 =	vld [tilespmem:s1+$0x10430]  }
0xeb: {  	v1 =	vld [tilespmem:s1+$0x10440]  }
0xec: {  	v0 =	vld [tilespmem:s1+$0x10450]  }
0xed: {  	[tilespmem:s13+$0x4000] =	vst.add.f32.msk $0xffff, v4  }
0xee: {  	[tilespmem:s14+$0x4000] =	vst.add.f32.msk $0xffff, v5  }
0xef: {  	[tilespmem:s16+$0x4000] =	vst.add.f32.msk $0xffff, v6  }
0xf0: {  	[tilespmem:s17+$0x0] =	vst.add.f32.msk $0xffff, v7  }
0xf1: {  	[tilespmem:s18+$0x0] =	vst.add.f32.msk $0xffff, v8  }
0xf2: {  	[tilespmem:s19+$0x0] =	vst.add.f32.msk $0xffff, v9  }
.Ltmp2:
0xf3: {  	[tilespmem:s20+$0x0] =	vst.add.f32.msk $0xffff, v10;
	(pc) =	sbr.rel @p0 .LBB2_6-.Ltmp2, $4  }
0xf4: {  	[tilespmem:s21+$0x0] =	vst.add.f32.msk $0xffff, v11  }
0xf5: {  	[tilespmem:s25+$0x0] =	vst.add.f32.msk $0xffff, v12  }
0xf6: {  	[tilespmem:s29+$0x0] =	vst.add.f32.msk $0xffff, v13  }
0xf7: {  	s9 =	sadd.s32 $0x1, s9;
	[tilespmem:s30+$0x0] =	vst.add.f32.msk $0xffff, v14  }
0xf8: {  	[tilespmem:s12+$0x0] =	vst.add.f32.msk $0xffff, v3  }
0xf9: {  	[tilespmem:s0+$0x0] =	vst.add.f32.msk $0xffff, v2  }
0xfa: {  	[tilespmem:s11+$0x0] =	vst.add.f32.msk $0xffff, v1  }
0xfb: {  	[tilespmem:s31+$0x0] =	vst.add.f32.msk $0xffff, v0;
	s26 =	simm.s32 $0x0;
	s1 =	simm.s32 $0x4000  }
0xfc: {  	s13 =	simm.s32 $0x7;
	s0 =	rddreg [dreg:$0xf];
	s12 =	sand.u32 $0x3, s26  }
0xfd: {  	[hbm4b:s0+s26] =	stream.linear.scatter [tilespmem:s1], [sflag:$0xB], $0x2000, $0x38;
	[tilespmem:$0x14000] =	vst v63  }
0xfe: {  	s0 =	sshll.u32 s12, $0xB;
	_ =	swait.ge [sflag:s13], $0x2000  }
0xff: {  	s0 =	sadd.s32 $0x0, s0;
	[sflag:s13] =	ssyncset.done $0x0  }
0x100: {  	s14 =	sor.u32 $0x2470, s0;
	[sflag:s13] =	ssyncadd.s32 $0xFFFFE000  }
0x101: {  	s9 =	sor.u32 $0x2060, s0;
	v0 =	vld [tilespmem:s14+$0x10000]  }
0x102: {  	s10 =	sor.u32 $0x2070, s0;
	v4 =	vld [tilespmem:s9+$0x10000]  }
0x103: {  	s15 =	sand.u32 $0x1800, s26;
	s16 =	sand.u32 $0x380, s26;
	s0 =	sor.u32 $0x2460, s0;
	v5 =	vld [tilespmem:s10+$0x10000]  }
0x104: {  	s13 =	sor.u32 s16, s15;
	v6 =	vld [tilespmem:s0+$0x10000]  }
0x105: {  	v7 =	vld [tilespmem:s13+$0x12000]  }
0x106: {  	v8 =	vld [tilespmem:s13+$0x12010]  }
0x107: {  	v9 =	vld [tilespmem:s13+$0x12020]  }
0x108: {  	v10 =	vld [tilespmem:s13+$0x12030]  }
0x109: {  	v11 =	vld [tilespmem:s13+$0x12040]  }
0x10a: {  	v12 =	vld [tilespmem:s13+$0x12050]  }
0x10b: {  	v13 =	vld [tilespmem:s13+$0x12400]  }
0x10c: {  	v14 =	vld [tilespmem:s13+$0x12410]  }
0x10d: {  	v3 =	vld [tilespmem:s13+$0x12420]  }
0x10e: {  	v2 =	vld [tilespmem:s13+$0x12430]  }
0x10f: {  	v1 =	vld [tilespmem:s13+$0x12440]  }
0x110: {  	[tilespmem:s14+$0x4000] =	vst.add.f32.msk $0xffff, v0  }
0x111: {  	v0 =	vld [tilespmem:s13+$0x12450]  }
0x112: {  	[tilespmem:s9+$0x4000] =	vst.add.f32.msk $0xffff, v4  }
0x113: {  	[tilespmem:s10+$0x4000] =	vst.add.f32.msk $0xffff, v5  }
0x114: {  	s17 =	sor.u32 $0x6000, s13;
	[tilespmem:s0+$0x4000] =	vst.add.f32.msk $0xffff, v6  }
0x115: {  	s18 =	sor.u32 $0x6010, s13;
	[tilespmem:s17+$0x0] =	vst.add.f32.msk $0xffff, v7  }
0x116: {  	s19 =	sor.u32 $0x6020, s13;
	[tilespmem:s18+$0x0] =	vst.add.f32.msk $0xffff, v8  }
0x117: {  	s20 =	sor.u32 $0x6030, s13;
	[tilespmem:s19+$0x0] =	vst.add.f32.msk $0xffff, v9  }
0x118: {  	s21 =	sor.u32 $0x6040, s13;
	[tilespmem:s20+$0x0] =	vst.add.f32.msk $0xffff, v10  }
0x119: {  	s25 =	sor.u32 $0x6050, s13;
	[tilespmem:s21+$0x0] =	vst.add.f32.msk $0xffff, v11  }
0x11a: {  	s28 =	simm.s32 $0x0;
	s29 =	sor.u32 $0x6400, s13;
	s30 =	sor.u32 $0x6410, s13;
	[tilespmem:s25+$0x0] =	vst.add.f32.msk $0xffff, v12  }
0x11b: {  	s12 =	sor.u32 $0x6420, s13;
	s11 =	sor.u32 $0x6440, s13;
	s31 =	sor.u32 $0x6450, s13;
	[tilespmem:s29+$0x0] =	vst.add.f32.msk $0xffff, v13  }
0x11c: {  	s0 =	sor.u32 $0x6430, s13;
	[tilespmem:s30+$0x0] =	vst.add.f32.msk $0xffff, v14;
	s9 =	simm.s32 $0x1;
	s10 =	simm.s32 $0x0  }
.LBB2_8:
0x11d: {  	s1 =	sand.u32 $0x3, s9;
	s28 =	sadd.s32 $0x10, s28;
	[tilespmem:s12+$0x0] =	vst.add.f32.msk $0xffff, v3;
	s26 =	sadd.s32 $0x800, s26  }
0x11e: {  	s10 =	sadd.s32 $0x20, s10;
	s1 =	sshll.u32 s1, $0xB;
	p0 =	slt.u32 s28, $0x1F0;
	[tilespmem:s0+$0x0] =	vst.add.f32.msk $0xffff, v2  }
0x11f: {  	s12 =	sand.u32 $0x380, s10;
	s0 =	sadd.s32 s1, s10;
	s1 =	sand.u32 $0x1800, s26;
	[tilespmem:s11+$0x0] =	vst.add.f32.msk $0xffff, v1  }
0x120: {  	s13 =	sor.u32 $0x2060, s0;
	s14 =	sor.u32 $0x2070, s0;
	s15 =	sor.u32 $0x2470, s0;
	[tilespmem:s31+$0x0] =	vst.add.f32.msk $0xffff, v0  }
0x121: {  	s1 =	sor.u32 s12, s1;
	s16 =	sor.u32 $0x2460, s0;
	v0 =	vld [tilespmem:s15+$0x10000]  }
0x122: {  	s17 =	sor.u32 $0x6000, s1;
	s18 =	sor.u32 $0x6010, s1;
	s19 =	sor.u32 $0x6020, s1;
	v4 =	vld [tilespmem:s13+$0x10000]  }
0x123: {  	s20 =	sor.u32 $0x6030, s1;
	s21 =	sor.u32 $0x6040, s1;
	s25 =	sor.u32 $0x6050, s1;
	v5 =	vld [tilespmem:s14+$0x10000]  }
0x124: {  	s29 =	sor.u32 $0x6400, s1;
	s30 =	sor.u32 $0x6410, s1;
	s12 =	sor.u32 $0x6420, s1;
	v6 =	vld [tilespmem:s16+$0x10000]  }
0x125: {  	s0 =	sor.u32 $0x6430, s1;
	s11 =	sor.u32 $0x6440, s1;
	s31 =	sor.u32 $0x6450, s1;
	v7 =	vld [tilespmem:s1+$0x12000]  }
0x126: {  	[tilespmem:s15+$0x4000] =	vst.add.f32.msk $0xffff, v0  }
0x127: {  	v8 =	vld [tilespmem:s1+$0x12010]  }
0x128: {  	v9 =	vld [tilespmem:s1+$0x12020]  }
0x129: {  	v10 =	vld [tilespmem:s1+$0x12030]  }
0x12a: {  	v11 =	vld [tilespmem:s1+$0x12040]  }
0x12b: {  	v12 =	vld [tilespmem:s1+$0x12050]  }
0x12c: {  	v13 =	vld [tilespmem:s1+$0x12400]  }
0x12d: {  	v14 =	vld [tilespmem:s1+$0x12410]  }
0x12e: {  	v3 =	vld [tilespmem:s1+$0x12420]  }
0x12f: {  	v2 =	vld [tilespmem:s1+$0x12430]  }
0x130: {  	v1 =	vld [tilespmem:s1+$0x12440]  }
0x131: {  	v0 =	vld [tilespmem:s1+$0x12450]  }
0x132: {  	[tilespmem:s13+$0x4000] =	vst.add.f32.msk $0xffff, v4  }
0x133: {  	[tilespmem:s14+$0x4000] =	vst.add.f32.msk $0xffff, v5  }
0x134: {  	[tilespmem:s16+$0x4000] =	vst.add.f32.msk $0xffff, v6  }
0x135: {  	[tilespmem:s17+$0x0] =	vst.add.f32.msk $0xffff, v7  }
0x136: {  	[tilespmem:s18+$0x0] =	vst.add.f32.msk $0xffff, v8  }
0x137: {  	[tilespmem:s19+$0x0] =	vst.add.f32.msk $0xffff, v9  }
.Ltmp3:
0x138: {  	[tilespmem:s20+$0x0] =	vst.add.f32.msk $0xffff, v10;
	(pc) =	sbr.rel @p0 .LBB2_8-.Ltmp3, $4  }
0x139: {  	[tilespmem:s21+$0x0] =	vst.add.f32.msk $0xffff, v11  }
0x13a: {  	[tilespmem:s25+$0x0] =	vst.add.f32.msk $0xffff, v12  }
0x13b: {  	[tilespmem:s29+$0x0] =	vst.add.f32.msk $0xffff, v13  }
0x13c: {  	s9 =	sadd.s32 $0x1, s9;
	[tilespmem:s30+$0x0] =	vst.add.f32.msk $0xffff, v14  }
0x13d: {  	[tilespmem:s12+$0x0] =	vst.add.f32.msk $0xffff, v3  }
0x13e: {  	[tilespmem:s0+$0x0] =	vst.add.f32.msk $0xffff, v2  }
0x13f: {  	[tilespmem:s11+$0x0] =	vst.add.f32.msk $0xffff, v1  }
0x140: {  	[tilespmem:s31+$0x0] =	vst.add.f32.msk $0xffff, v0;
	s26 =	simm.s32 $0x0  }
0x141: {  	s1 =	simm.s32 $0x6000;
	s0 =	rddreg [dreg:$0x10];
	s13 =	sand.u32 $0x3, s26  }
0x142: {  	[hbm4b:s0+s26] =	stream.linear.scatter [tilespmem:s1], [sflag:$0xB], $0x2000, $0x38;
	[tilespmem:$0x14000] =	vst v63  }
0x143: {  	s0 =	sshll.u32 s13, $0xB;
	_ =	swait.ge [sflag:s3], $0x2000  }
0x144: {  	s0 =	sadd.s32 $0x0, s0;
	[sflag:s3] =	ssyncset.done $0x0  }
0x145: {  	s14 =	sor.u32 $0x470, s0;
	[sflag:s3] =	ssyncadd.s32 $0xFFFFE000  }
0x146: {  	s9 =	sor.u32 $0x60, s0;
	v0 =	vld [tilespmem:s14+$0x10000]  }
0x147: {  	s10 =	sor.u32 $0x70, s0;
	v4 =	vld [tilespmem:s9+$0x10000]  }
0x148: {  	s15 =	sand.u32 $0x1800, s26;
	s16 =	sand.u32 $0x380, s26;
	s0 =	sor.u32 $0x460, s0;
	v5 =	vld [tilespmem:s10+$0x10000]  }
0x149: {  	s13 =	sor.u32 s16, s15;
	v6 =	vld [tilespmem:s0+$0x10000]  }
0x14a: {  	v7 =	vld [tilespmem:s13+$0x10000]  }
0x14b: {  	v8 =	vld [tilespmem:s13+$0x10010]  }
0x14c: {  	v9 =	vld [tilespmem:s13+$0x10020]  }
0x14d: {  	v10 =	vld [tilespmem:s13+$0x10030]  }
0x14e: {  	v11 =	vld [tilespmem:s13+$0x10040]  }
0x14f: {  	v12 =	vld [tilespmem:s13+$0x10050]  }
0x150: {  	v13 =	vld [tilespmem:s13+$0x10400]  }
0x151: {  	v14 =	vld [tilespmem:s13+$0x10410]  }
0x152: {  	v3 =	vld [tilespmem:s13+$0x10420]  }
0x153: {  	v2 =	vld [tilespmem:s13+$0x10430]  }
0x154: {  	v1 =	vld [tilespmem:s13+$0x10440]  }
0x155: {  	[tilespmem:s14+$0x8000] =	vst.add.f32.msk $0xffff, v0  }
0x156: {  	v0 =	vld [tilespmem:s13+$0x10450]  }
0x157: {  	[tilespmem:s9+$0x8000] =	vst.add.f32.msk $0xffff, v4  }
0x158: {  	[tilespmem:s10+$0x8000] =	vst.add.f32.msk $0xffff, v5  }
0x159: {  	s17 =	sor.u32 $0x8000, s13;
	[tilespmem:s0+$0x8000] =	vst.add.f32.msk $0xffff, v6  }
0x15a: {  	s18 =	sor.u32 $0x8010, s13;
	[tilespmem:s17+$0x0] =	vst.add.f32.msk $0xffff, v7  }
0x15b: {  	s19 =	sor.u32 $0x8020, s13;
	[tilespmem:s18+$0x0] =	vst.add.f32.msk $0xffff, v8  }
0x15c: {  	s20 =	sor.u32 $0x8030, s13;
	[tilespmem:s19+$0x0] =	vst.add.f32.msk $0xffff, v9  }
0x15d: {  	s21 =	sor.u32 $0x8040, s13;
	[tilespmem:s20+$0x0] =	vst.add.f32.msk $0xffff, v10  }
0x15e: {  	s25 =	sor.u32 $0x8050, s13;
	[tilespmem:s21+$0x0] =	vst.add.f32.msk $0xffff, v11  }
0x15f: {  	s28 =	simm.s32 $0x0;
	s29 =	sor.u32 $0x8400, s13;
	s30 =	sor.u32 $0x8410, s13;
	[tilespmem:s25+$0x0] =	vst.add.f32.msk $0xffff, v12  }
0x160: {  	s12 =	sor.u32 $0x8420, s13;
	s11 =	sor.u32 $0x8440, s13;
	s31 =	sor.u32 $0x8450, s13;
	[tilespmem:s29+$0x0] =	vst.add.f32.msk $0xffff, v13  }
0x161: {  	s0 =	sor.u32 $0x8430, s13;
	[tilespmem:s30+$0x0] =	vst.add.f32.msk $0xffff, v14;
	s9 =	simm.s32 $0x1;
	s10 =	simm.s32 $0x0  }
.LBB2_10:
0x162: {  	s1 =	sand.u32 $0x3, s9;
	s28 =	sadd.s32 $0x10, s28;
	[tilespmem:s12+$0x0] =	vst.add.f32.msk $0xffff, v3;
	s26 =	sadd.s32 $0x800, s26  }
0x163: {  	s10 =	sadd.s32 $0x20, s10;
	s1 =	sshll.u32 s1, $0xB;
	p0 =	slt.u32 s28, $0x1F0;
	[tilespmem:s0+$0x0] =	vst.add.f32.msk $0xffff, v2  }
0x164: {  	s12 =	sand.u32 $0x380, s10;
	s0 =	sadd.s32 s1, s10;
	s1 =	sand.u32 $0x1800, s26;
	[tilespmem:s11+$0x0] =	vst.add.f32.msk $0xffff, v1  }
0x165: {  	s13 =	sor.u32 $0x60, s0;
	s14 =	sor.u32 $0x70, s0;
	s15 =	sor.u32 $0x470, s0;
	[tilespmem:s31+$0x0] =	vst.add.f32.msk $0xffff, v0  }
0x166: {  	s1 =	sor.u32 s12, s1;
	s16 =	sor.u32 $0x460, s0;
	v0 =	vld [tilespmem:s15+$0x10000]  }
0x167: {  	s17 =	sor.u32 $0x8000, s1;
	s18 =	sor.u32 $0x8010, s1;
	s19 =	sor.u32 $0x8020, s1;
	v4 =	vld [tilespmem:s13+$0x10000]  }
0x168: {  	s20 =	sor.u32 $0x8030, s1;
	s21 =	sor.u32 $0x8040, s1;
	s25 =	sor.u32 $0x8050, s1;
	v5 =	vld [tilespmem:s14+$0x10000]  }
0x169: {  	s29 =	sor.u32 $0x8400, s1;
	s30 =	sor.u32 $0x8410, s1;
	s12 =	sor.u32 $0x8420, s1;
	v6 =	vld [tilespmem:s16+$0x10000]  }
0x16a: {  	s0 =	sor.u32 $0x8430, s1;
	s11 =	sor.u32 $0x8440, s1;
	s31 =	sor.u32 $0x8450, s1;
	v7 =	vld [tilespmem:s1+$0x10000]  }
0x16b: {  	[tilespmem:s15+$0x8000] =	vst.add.f32.msk $0xffff, v0  }
0x16c: {  	v8 =	vld [tilespmem:s1+$0x10010]  }
0x16d: {  	v9 =	vld [tilespmem:s1+$0x10020]  }
0x16e: {  	v10 =	vld [tilespmem:s1+$0x10030]  }
0x16f: {  	v11 =	vld [tilespmem:s1+$0x10040]  }
0x170: {  	v12 =	vld [tilespmem:s1+$0x10050]  }
0x171: {  	v13 =	vld [tilespmem:s1+$0x10400]  }
0x172: {  	v14 =	vld [tilespmem:s1+$0x10410]  }
0x173: {  	v3 =	vld [tilespmem:s1+$0x10420]  }
0x174: {  	v2 =	vld [tilespmem:s1+$0x10430]  }
0x175: {  	v1 =	vld [tilespmem:s1+$0x10440]  }
0x176: {  	v0 =	vld [tilespmem:s1+$0x10450]  }
0x177: {  	[tilespmem:s13+$0x8000] =	vst.add.f32.msk $0xffff, v4  }
0x178: {  	[tilespmem:s14+$0x8000] =	vst.add.f32.msk $0xffff, v5  }
0x179: {  	[tilespmem:s16+$0x8000] =	vst.add.f32.msk $0xffff, v6  }
0x17a: {  	[tilespmem:s17+$0x0] =	vst.add.f32.msk $0xffff, v7  }
0x17b: {  	[tilespmem:s18+$0x0] =	vst.add.f32.msk $0xffff, v8  }
0x17c: {  	[tilespmem:s19+$0x0] =	vst.add.f32.msk $0xffff, v9  }
.Ltmp4:
0x17d: {  	[tilespmem:s20+$0x0] =	vst.add.f32.msk $0xffff, v10;
	(pc) =	sbr.rel @p0 .LBB2_10-.Ltmp4, $4  }
0x17e: {  	[tilespmem:s21+$0x0] =	vst.add.f32.msk $0xffff, v11  }
0x17f: {  	[tilespmem:s25+$0x0] =	vst.add.f32.msk $0xffff, v12  }
0x180: {  	[tilespmem:s29+$0x0] =	vst.add.f32.msk $0xffff, v13  }
0x181: {  	s9 =	sadd.s32 $0x1, s9;
	[tilespmem:s30+$0x0] =	vst.add.f32.msk $0xffff, v14  }
0x182: {  	[tilespmem:s12+$0x0] =	vst.add.f32.msk $0xffff, v3  }
0x183: {  	[tilespmem:s0+$0x0] =	vst.add.f32.msk $0xffff, v2  }
0x184: {  	[tilespmem:s11+$0x0] =	vst.add.f32.msk $0xffff, v1  }
0x185: {  	[tilespmem:s31+$0x0] =	vst.add.f32.msk $0xffff, v0;
	s26 =	simm.s32 $0x0  }
0x186: {  	s1 =	simm.s32 $0x8000;
	s0 =	rddreg [dreg:$0x11];
	s13 =	sand.u32 $0x3, s26  }
0x187: {  	[hbm4b:s0+s26] =	stream.linear.scatter [tilespmem:s1], [sflag:$0xC], $0x2000, $0x38;
	[tilespmem:$0x14000] =	vst v63  }
0x188: {  	s0 =	sshll.u32 s13, $0xB;
	_ =	swait.ge [sflag:s4], $0x2000  }
0x189: {  	s0 =	sadd.s32 $0x0, s0;
	[sflag:s4] =	ssyncset.done $0x0  }
0x18a: {  	s14 =	sor.u32 $0x2470, s0;
	[sflag:s4] =	ssyncadd.s32 $0xFFFFE000  }
0x18b: {  	s9 =	sor.u32 $0x2060, s0;
	v0 =	vld [tilespmem:s14+$0x10000]  }
0x18c: {  	s10 =	sor.u32 $0x2070, s0;
	v4 =	vld [tilespmem:s9+$0x10000]  }
0x18d: {  	s15 =	sand.u32 $0x1800, s26;
	s16 =	sand.u32 $0x380, s26;
	s0 =	sor.u32 $0x2460, s0;
	v5 =	vld [tilespmem:s10+$0x10000]  }
0x18e: {  	s13 =	sor.u32 s16, s15;
	v6 =	vld [tilespmem:s0+$0x10000]  }
0x18f: {  	v7 =	vld [tilespmem:s13+$0x12000]  }
0x190: {  	v8 =	vld [tilespmem:s13+$0x12010]  }
0x191: {  	v9 =	vld [tilespmem:s13+$0x12020]  }
0x192: {  	v10 =	vld [tilespmem:s13+$0x12030]  }
0x193: {  	v11 =	vld [tilespmem:s13+$0x12040]  }
0x194: {  	v12 =	vld [tilespmem:s13+$0x12050]  }
0x195: {  	v13 =	vld [tilespmem:s13+$0x12400]  }
0x196: {  	v14 =	vld [tilespmem:s13+$0x12410]  }
0x197: {  	v3 =	vld [tilespmem:s13+$0x12420]  }
0x198: {  	v2 =	vld [tilespmem:s13+$0x12430]  }
0x199: {  	v1 =	vld [tilespmem:s13+$0x12440]  }
0x19a: {  	[tilespmem:s14+$0x8000] =	vst.add.f32.msk $0xffff, v0  }
0x19b: {  	v0 =	vld [tilespmem:s13+$0x12450]  }
0x19c: {  	[tilespmem:s9+$0x8000] =	vst.add.f32.msk $0xffff, v4  }
0x19d: {  	[tilespmem:s10+$0x8000] =	vst.add.f32.msk $0xffff, v5  }
0x19e: {  	s17 =	sor.u32 $0xA000, s13;
	[tilespmem:s0+$0x8000] =	vst.add.f32.msk $0xffff, v6  }
0x19f: {  	s18 =	sor.u32 $0xA010, s13;
	[tilespmem:s17+$0x0] =	vst.add.f32.msk $0xffff, v7  }
0x1a0: {  	s19 =	sor.u32 $0xA020, s13;
	[tilespmem:s18+$0x0] =	vst.add.f32.msk $0xffff, v8  }
0x1a1: {  	s20 =	sor.u32 $0xA030, s13;
	[tilespmem:s19+$0x0] =	vst.add.f32.msk $0xffff, v9  }
0x1a2: {  	s21 =	sor.u32 $0xA040, s13;
	[tilespmem:s20+$0x0] =	vst.add.f32.msk $0xffff, v10  }
0x1a3: {  	s25 =	sor.u32 $0xA050, s13;
	[tilespmem:s21+$0x0] =	vst.add.f32.msk $0xffff, v11  }
0x1a4: {  	s28 =	simm.s32 $0x0;
	s29 =	sor.u32 $0xA400, s13;
	s30 =	sor.u32 $0xA410, s13;
	[tilespmem:s25+$0x0] =	vst.add.f32.msk $0xffff, v12  }
0x1a5: {  	s12 =	sor.u32 $0xA420, s13;
	s11 =	sor.u32 $0xA440, s13;
	s31 =	sor.u32 $0xA450, s13;
	[tilespmem:s29+$0x0] =	vst.add.f32.msk $0xffff, v13  }
0x1a6: {  	s0 =	sor.u32 $0xA430, s13;
	[tilespmem:s30+$0x0] =	vst.add.f32.msk $0xffff, v14;
	s9 =	simm.s32 $0x1;
	s10 =	simm.s32 $0x0  }
.LBB2_12:
0x1a7: {  	s1 =	sand.u32 $0x3, s9;
	s28 =	sadd.s32 $0x10, s28;
	[tilespmem:s12+$0x0] =	vst.add.f32.msk $0xffff, v3;
	s26 =	sadd.s32 $0x800, s26  }
0x1a8: {  	s10 =	sadd.s32 $0x20, s10;
	s1 =	sshll.u32 s1, $0xB;
	p0 =	slt.u32 s28, $0x1F0;
	[tilespmem:s0+$0x0] =	vst.add.f32.msk $0xffff, v2  }
0x1a9: {  	s12 =	sand.u32 $0x380, s10;
	s0 =	sadd.s32 s1, s10;
	s1 =	sand.u32 $0x1800, s26;
	[tilespmem:s11+$0x0] =	vst.add.f32.msk $0xffff, v1  }
0x1aa: {  	s13 =	sor.u32 $0x2060, s0;
	s14 =	sor.u32 $0x2070, s0;
	s15 =	sor.u32 $0x2470, s0;
	[tilespmem:s31+$0x0] =	vst.add.f32.msk $0xffff, v0  }
0x1ab: {  	s1 =	sor.u32 s12, s1;
	s16 =	sor.u32 $0x2460, s0;
	v0 =	vld [tilespmem:s15+$0x10000]  }
0x1ac: {  	s17 =	sor.u32 $0xA000, s1;
	s18 =	sor.u32 $0xA010, s1;
	s19 =	sor.u32 $0xA020, s1;
	v4 =	vld [tilespmem:s13+$0x10000]  }
0x1ad: {  	s20 =	sor.u32 $0xA030, s1;
	s21 =	sor.u32 $0xA040, s1;
	s25 =	sor.u32 $0xA050, s1;
	v5 =	vld [tilespmem:s14+$0x10000]  }
0x1ae: {  	s29 =	sor.u32 $0xA400, s1;
	s30 =	sor.u32 $0xA410, s1;
	s12 =	sor.u32 $0xA420, s1;
	v6 =	vld [tilespmem:s16+$0x10000]  }
0x1af: {  	s0 =	sor.u32 $0xA430, s1;
	s11 =	sor.u32 $0xA440, s1;
	s31 =	sor.u32 $0xA450, s1;
	v7 =	vld [tilespmem:s1+$0x12000]  }
0x1b0: {  	[tilespmem:s15+$0x8000] =	vst.add.f32.msk $0xffff, v0  }
0x1b1: {  	v8 =	vld [tilespmem:s1+$0x12010]  }
0x1b2: {  	v9 =	vld [tilespmem:s1+$0x12020]  }
0x1b3: {  	v10 =	vld [tilespmem:s1+$0x12030]  }
0x1b4: {  	v11 =	vld [tilespmem:s1+$0x12040]  }
0x1b5: {  	v12 =	vld [tilespmem:s1+$0x12050]  }
0x1b6: {  	v13 =	vld [tilespmem:s1+$0x12400]  }
0x1b7: {  	v14 =	vld [tilespmem:s1+$0x12410]  }
0x1b8: {  	v3 =	vld [tilespmem:s1+$0x12420]  }
0x1b9: {  	v2 =	vld [tilespmem:s1+$0x12430]  }
0x1ba: {  	v1 =	vld [tilespmem:s1+$0x12440]  }
0x1bb: {  	v0 =	vld [tilespmem:s1+$0x12450]  }
0x1bc: {  	[tilespmem:s13+$0x8000] =	vst.add.f32.msk $0xffff, v4  }
0x1bd: {  	[tilespmem:s14+$0x8000] =	vst.add.f32.msk $0xffff, v5  }
0x1be: {  	[tilespmem:s16+$0x8000] =	vst.add.f32.msk $0xffff, v6  }
0x1bf: {  	[tilespmem:s17+$0x0] =	vst.add.f32.msk $0xffff, v7  }
0x1c0: {  	[tilespmem:s18+$0x0] =	vst.add.f32.msk $0xffff, v8  }
0x1c1: {  	[tilespmem:s19+$0x0] =	vst.add.f32.msk $0xffff, v9  }
.Ltmp5:
0x1c2: {  	[tilespmem:s20+$0x0] =	vst.add.f32.msk $0xffff, v10;
	(pc) =	sbr.rel @p0 .LBB2_12-.Ltmp5, $4  }
0x1c3: {  	[tilespmem:s21+$0x0] =	vst.add.f32.msk $0xffff, v11  }
0x1c4: {  	[tilespmem:s25+$0x0] =	vst.add.f32.msk $0xffff, v12  }
0x1c5: {  	[tilespmem:s29+$0x0] =	vst.add.f32.msk $0xffff, v13  }
0x1c6: {  	s9 =	sadd.s32 $0x1, s9;
	[tilespmem:s30+$0x0] =	vst.add.f32.msk $0xffff, v14  }
0x1c7: {  	[tilespmem:s12+$0x0] =	vst.add.f32.msk $0xffff, v3  }
0x1c8: {  	[tilespmem:s0+$0x0] =	vst.add.f32.msk $0xffff, v2  }
0x1c9: {  	[tilespmem:s11+$0x0] =	vst.add.f32.msk $0xffff, v1  }
0x1ca: {  	[tilespmem:s31+$0x0] =	vst.add.f32.msk $0xffff, v0;
	s26 =	simm.s32 $0x0  }
0x1cb: {  	s1 =	simm.s32 $0xA000;
	s0 =	rddreg [dreg:$0x12];
	s13 =	sand.u32 $0x3, s26  }
0x1cc: {  	[hbm4b:s0+s26] =	stream.linear.scatter [tilespmem:s1], [sflag:$0xC], $0x2000, $0x38;
	[tilespmem:$0x14000] =	vst v63  }
0x1cd: {  	s0 =	sshll.u32 s13, $0xB;
	_ =	swait.ge [sflag:s5], $0x2000  }
0x1ce: {  	s0 =	sadd.s32 $0x0, s0;
	[sflag:s5] =	ssyncset.done $0x0  }
0x1cf: {  	s14 =	sor.u32 $0x470, s0;
	[sflag:s5] =	ssyncadd.s32 $0xFFFFE000  }
0x1d0: {  	s9 =	sor.u32 $0x60, s0;
	v0 =	vld [tilespmem:s14+$0x10000]  }
0x1d1: {  	s10 =	sor.u32 $0x70, s0;
	v4 =	vld [tilespmem:s9+$0x10000]  }
0x1d2: {  	s15 =	sand.u32 $0x1800, s26;
	s16 =	sand.u32 $0x380, s26;
	s0 =	sor.u32 $0x460, s0;
	v5 =	vld [tilespmem:s10+$0x10000]  }
0x1d3: {  	s13 =	sor.u32 s16, s15;
	v6 =	vld [tilespmem:s0+$0x10000]  }
0x1d4: {  	v7 =	vld [tilespmem:s13+$0x10000]  }
0x1d5: {  	v8 =	vld [tilespmem:s13+$0x10010]  }
0x1d6: {  	v9 =	vld [tilespmem:s13+$0x10020]  }
0x1d7: {  	v10 =	vld [tilespmem:s13+$0x10030]  }
0x1d8: {  	v11 =	vld [tilespmem:s13+$0x10040]  }
0x1d9: {  	v12 =	vld [tilespmem:s13+$0x10050]  }
0x1da: {  	v13 =	vld [tilespmem:s13+$0x10400]  }
0x1db: {  	v14 =	vld [tilespmem:s13+$0x10410]  }
0x1dc: {  	v3 =	vld [tilespmem:s13+$0x10420]  }
0x1dd: {  	v2 =	vld [tilespmem:s13+$0x10430]  }
0x1de: {  	v1 =	vld [tilespmem:s13+$0x10440]  }
0x1df: {  	[tilespmem:s14+$0xC000] =	vst.add.f32.msk $0xffff, v0  }
0x1e0: {  	v0 =	vld [tilespmem:s13+$0x10450]  }
0x1e1: {  	[tilespmem:s9+$0xC000] =	vst.add.f32.msk $0xffff, v4  }
0x1e2: {  	[tilespmem:s10+$0xC000] =	vst.add.f32.msk $0xffff, v5  }
0x1e3: {  	s17 =	sor.u32 $0xC000, s13;
	[tilespmem:s0+$0xC000] =	vst.add.f32.msk $0xffff, v6  }
0x1e4: {  	s18 =	sor.u32 $0xC010, s13;
	[tilespmem:s17+$0x0] =	vst.add.f32.msk $0xffff, v7  }
0x1e5: {  	s19 =	sor.u32 $0xC020, s13;
	[tilespmem:s18+$0x0] =	vst.add.f32.msk $0xffff, v8  }
0x1e6: {  	s20 =	sor.u32 $0xC030, s13;
	[tilespmem:s19+$0x0] =	vst.add.f32.msk $0xffff, v9  }
0x1e7: {  	s21 =	sor.u32 $0xC040, s13;
	[tilespmem:s20+$0x0] =	vst.add.f32.msk $0xffff, v10  }
0x1e8: {  	s25 =	sor.u32 $0xC050, s13;
	[tilespmem:s21+$0x0] =	vst.add.f32.msk $0xffff, v11  }
0x1e9: {  	s28 =	simm.s32 $0x0;
	s29 =	sor.u32 $0xC400, s13;
	s30 =	sor.u32 $0xC410, s13;
	[tilespmem:s25+$0x0] =	vst.add.f32.msk $0xffff, v12  }
0x1ea: {  	s12 =	sor.u32 $0xC420, s13;
	s11 =	sor.u32 $0xC440, s13;
	s31 =	sor.u32 $0xC450, s13;
	[tilespmem:s29+$0x0] =	vst.add.f32.msk $0xffff, v13  }
0x1eb: {  	s0 =	sor.u32 $0xC430, s13;
	[tilespmem:s30+$0x0] =	vst.add.f32.msk $0xffff, v14;
	s9 =	simm.s32 $0x1;
	s10 =	simm.s32 $0x0  }
.LBB2_14:
0x1ec: {  	s1 =	sand.u32 $0x3, s9;
	s28 =	sadd.s32 $0x10, s28;
	[tilespmem:s12+$0x0] =	vst.add.f32.msk $0xffff, v3;
	s26 =	sadd.s32 $0x800, s26  }
0x1ed: {  	s10 =	sadd.s32 $0x20, s10;
	s1 =	sshll.u32 s1, $0xB;
	p0 =	slt.u32 s28, $0x1F0;
	[tilespmem:s0+$0x0] =	vst.add.f32.msk $0xffff, v2  }
0x1ee: {  	s12 =	sand.u32 $0x380, s10;
	s0 =	sadd.s32 s1, s10;
	s1 =	sand.u32 $0x1800, s26;
	[tilespmem:s11+$0x0] =	vst.add.f32.msk $0xffff, v1  }
0x1ef: {  	s13 =	sor.u32 $0x60, s0;
	s14 =	sor.u32 $0x70, s0;
	s15 =	sor.u32 $0x470, s0;
	[tilespmem:s31+$0x0] =	vst.add.f32.msk $0xffff, v0  }
0x1f0: {  	s1 =	sor.u32 s12, s1;
	s16 =	sor.u32 $0x460, s0;
	v0 =	vld [tilespmem:s15+$0x10000]  }
0x1f1: {  	s17 =	sor.u32 $0xC000, s1;
	s18 =	sor.u32 $0xC010, s1;
	s19 =	sor.u32 $0xC020, s1;
	v4 =	vld [tilespmem:s13+$0x10000]  }
0x1f2: {  	s20 =	sor.u32 $0xC030, s1;
	s21 =	sor.u32 $0xC040, s1;
	s25 =	sor.u32 $0xC050, s1;
	v5 =	vld [tilespmem:s14+$0x10000]  }
0x1f3: {  	s29 =	sor.u32 $0xC400, s1;
	s30 =	sor.u32 $0xC410, s1;
	s12 =	sor.u32 $0xC420, s1;
	v6 =	vld [tilespmem:s16+$0x10000]  }
0x1f4: {  	s0 =	sor.u32 $0xC430, s1;
	s11 =	sor.u32 $0xC440, s1;
	s31 =	sor.u32 $0xC450, s1;
	v7 =	vld [tilespmem:s1+$0x10000]  }
0x1f5: {  	[tilespmem:s15+$0xC000] =	vst.add.f32.msk $0xffff, v0  }
0x1f6: {  	v8 =	vld [tilespmem:s1+$0x10010]  }
0x1f7: {  	v9 =	vld [tilespmem:s1+$0x10020]  }
0x1f8: {  	v10 =	vld [tilespmem:s1+$0x10030]  }
0x1f9: {  	v11 =	vld [tilespmem:s1+$0x10040]  }
0x1fa: {  	v12 =	vld [tilespmem:s1+$0x10050]  }
0x1fb: {  	v13 =	vld [tilespmem:s1+$0x10400]  }
0x1fc: {  	v14 =	vld [tilespmem:s1+$0x10410]  }
0x1fd: {  	v3 =	vld [tilespmem:s1+$0x10420]  }
0x1fe: {  	v2 =	vld [tilespmem:s1+$0x10430]  }
0x1ff: {  	v1 =	vld [tilespmem:s1+$0x10440]  }
0x200: {  	v0 =	vld [tilespmem:s1+$0x10450]  }
0x201: {  	[tilespmem:s13+$0xC000] =	vst.add.f32.msk $0xffff, v4  }
0x202: {  	[tilespmem:s14+$0xC000] =	vst.add.f32.msk $0xffff, v5  }
0x203: {  	[tilespmem:s16+$0xC000] =	vst.add.f32.msk $0xffff, v6  }
0x204: {  	[tilespmem:s17+$0x0] =	vst.add.f32.msk $0xffff, v7  }
0x205: {  	[tilespmem:s18+$0x0] =	vst.add.f32.msk $0xffff, v8  }
0x206: {  	[tilespmem:s19+$0x0] =	vst.add.f32.msk $0xffff, v9  }
.Ltmp6:
0x207: {  	[tilespmem:s20+$0x0] =	vst.add.f32.msk $0xffff, v10;
	(pc) =	sbr.rel @p0 .LBB2_14-.Ltmp6, $4  }
0x208: {  	[tilespmem:s21+$0x0] =	vst.add.f32.msk $0xffff, v11  }
0x209: {  	[tilespmem:s25+$0x0] =	vst.add.f32.msk $0xffff, v12  }
0x20a: {  	[tilespmem:s29+$0x0] =	vst.add.f32.msk $0xffff, v13  }
0x20b: {  	s9 =	sadd.s32 $0x1, s9;
	[tilespmem:s30+$0x0] =	vst.add.f32.msk $0xffff, v14  }
0x20c: {  	[tilespmem:s12+$0x0] =	vst.add.f32.msk $0xffff, v3  }
0x20d: {  	[tilespmem:s0+$0x0] =	vst.add.f32.msk $0xffff, v2  }
0x20e: {  	[tilespmem:s11+$0x0] =	vst.add.f32.msk $0xffff, v1  }
0x20f: {  	[tilespmem:s31+$0x0] =	vst.add.f32.msk $0xffff, v0;
	s26 =	simm.s32 $0x0  }
0x210: {  	s1 =	simm.s32 $0xC000;
	s0 =	rddreg [dreg:$0x13];
	s13 =	sand.u32 $0x3, s26  }
0x211: {  	[hbm4b:s0+s26] =	stream.linear.scatter [tilespmem:s1], [sflag:$0xD], $0x2000, $0x38;
	[tilespmem:$0x14000] =	vst v63  }
0x212: {  	s0 =	sshll.u32 s13, $0xB;
	_ =	swait.ge [sflag:s6], $0x2000  }
0x213: {  	s0 =	sadd.s32 $0x0, s0;
	[sflag:s6] =	ssyncset.done $0x0  }
0x214: {  	s14 =	sor.u32 $0x2470, s0;
	[sflag:s6] =	ssyncadd.s32 $0xFFFFE000  }
0x215: {  	s9 =	sor.u32 $0x2060, s0;
	v0 =	vld [tilespmem:s14+$0x10000]  }
0x216: {  	s10 =	sor.u32 $0x2070, s0;
	v4 =	vld [tilespmem:s9+$0x10000]  }
0x217: {  	s15 =	sand.u32 $0x1800, s26;
	s16 =	sand.u32 $0x380, s26;
	s0 =	sor.u32 $0x2460, s0;
	v5 =	vld [tilespmem:s10+$0x10000]  }
0x218: {  	s13 =	sor.u32 s16, s15;
	v6 =	vld [tilespmem:s0+$0x10000]  }
0x219: {  	v7 =	vld [tilespmem:s13+$0x12000]  }
0x21a: {  	v8 =	vld [tilespmem:s13+$0x12010]  }
0x21b: {  	v9 =	vld [tilespmem:s13+$0x12020]  }
0x21c: {  	v10 =	vld [tilespmem:s13+$0x12030]  }
0x21d: {  	v11 =	vld [tilespmem:s13+$0x12040]  }
0x21e: {  	v12 =	vld [tilespmem:s13+$0x12050]  }
0x21f: {  	v13 =	vld [tilespmem:s13+$0x12400]  }
0x220: {  	v14 =	vld [tilespmem:s13+$0x12410]  }
0x221: {  	v3 =	vld [tilespmem:s13+$0x12420]  }
0x222: {  	v2 =	vld [tilespmem:s13+$0x12430]  }
0x223: {  	v1 =	vld [tilespmem:s13+$0x12440]  }
0x224: {  	[tilespmem:s14+$0xC000] =	vst.add.f32.msk $0xffff, v0  }
0x225: {  	v0 =	vld [tilespmem:s13+$0x12450]  }
0x226: {  	[tilespmem:s9+$0xC000] =	vst.add.f32.msk $0xffff, v4  }
0x227: {  	[tilespmem:s10+$0xC000] =	vst.add.f32.msk $0xffff, v5  }
0x228: {  	s17 =	sor.u32 $0xE000, s13;
	[tilespmem:s0+$0xC000] =	vst.add.f32.msk $0xffff, v6  }
0x229: {  	s18 =	sor.u32 $0xE010, s13;
	[tilespmem:s17+$0x0] =	vst.add.f32.msk $0xffff, v7  }
0x22a: {  	s19 =	sor.u32 $0xE020, s13;
	[tilespmem:s18+$0x0] =	vst.add.f32.msk $0xffff, v8  }
0x22b: {  	s20 =	sor.u32 $0xE030, s13;
	[tilespmem:s19+$0x0] =	vst.add.f32.msk $0xffff, v9  }
0x22c: {  	s21 =	sor.u32 $0xE040, s13;
	[tilespmem:s20+$0x0] =	vst.add.f32.msk $0xffff, v10  }
0x22d: {  	s25 =	sor.u32 $0xE050, s13;
	[tilespmem:s21+$0x0] =	vst.add.f32.msk $0xffff, v11  }
0x22e: {  	s28 =	simm.s32 $0x0;
	s29 =	sor.u32 $0xE400, s13;
	s30 =	sor.u32 $0xE410, s13;
	[tilespmem:s25+$0x0] =	vst.add.f32.msk $0xffff, v12  }
0x22f: {  	s12 =	sor.u32 $0xE420, s13;
	s11 =	sor.u32 $0xE440, s13;
	s31 =	sor.u32 $0xE450, s13;
	[tilespmem:s29+$0x0] =	vst.add.f32.msk $0xffff, v13  }
0x230: {  	s0 =	sor.u32 $0xE430, s13;
	[tilespmem:s30+$0x0] =	vst.add.f32.msk $0xffff, v14;
	s9 =	simm.s32 $0x1;
	s10 =	simm.s32 $0x0  }
.LBB2_16:
0x231: {  	s1 =	sand.u32 $0x3, s9;
	s28 =	sadd.s32 $0x10, s28;
	[tilespmem:s12+$0x0] =	vst.add.f32.msk $0xffff, v3;
	s26 =	sadd.s32 $0x800, s26  }
0x232: {  	s10 =	sadd.s32 $0x20, s10;
	s1 =	sshll.u32 s1, $0xB;
	p0 =	slt.u32 s28, $0x1F0;
	[tilespmem:s0+$0x0] =	vst.add.f32.msk $0xffff, v2  }
0x233: {  	s12 =	sand.u32 $0x380, s10;
	s0 =	sadd.s32 s1, s10;
	s1 =	sand.u32 $0x1800, s26;
	[tilespmem:s11+$0x0] =	vst.add.f32.msk $0xffff, v1  }
0x234: {  	s13 =	sor.u32 $0x2060, s0;
	s14 =	sor.u32 $0x2070, s0;
	s15 =	sor.u32 $0x2470, s0;
	[tilespmem:s31+$0x0] =	vst.add.f32.msk $0xffff, v0  }
0x235: {  	s1 =	sor.u32 s12, s1;
	s16 =	sor.u32 $0x2460, s0;
	v0 =	vld [tilespmem:s15+$0x10000]  }
0x236: {  	s17 =	sor.u32 $0xE000, s1;
	s18 =	sor.u32 $0xE010, s1;
	s19 =	sor.u32 $0xE020, s1;
	v4 =	vld [tilespmem:s13+$0x10000]  }
0x237: {  	s20 =	sor.u32 $0xE030, s1;
	s21 =	sor.u32 $0xE040, s1;
	s25 =	sor.u32 $0xE050, s1;
	v5 =	vld [tilespmem:s14+$0x10000]  }
0x238: {  	s29 =	sor.u32 $0xE400, s1;
	s30 =	sor.u32 $0xE410, s1;
	s12 =	sor.u32 $0xE420, s1;
	v6 =	vld [tilespmem:s16+$0x10000]  }
0x239: {  	s0 =	sor.u32 $0xE430, s1;
	s11 =	sor.u32 $0xE440, s1;
	s31 =	sor.u32 $0xE450, s1;
	v7 =	vld [tilespmem:s1+$0x12000]  }
0x23a: {  	[tilespmem:s15+$0xC000] =	vst.add.f32.msk $0xffff, v0  }
0x23b: {  	v8 =	vld [tilespmem:s1+$0x12010]  }
0x23c: {  	v9 =	vld [tilespmem:s1+$0x12020]  }
0x23d: {  	v10 =	vld [tilespmem:s1+$0x12030]  }
0x23e: {  	v11 =	vld [tilespmem:s1+$0x12040]  }
0x23f: {  	v12 =	vld [tilespmem:s1+$0x12050]  }
0x240: {  	v13 =	vld [tilespmem:s1+$0x12400]  }
0x241: {  	v14 =	vld [tilespmem:s1+$0x12410]  }
0x242: {  	v3 =	vld [tilespmem:s1+$0x12420]  }
0x243: {  	v2 =	vld [tilespmem:s1+$0x12430]  }
0x244: {  	v1 =	vld [tilespmem:s1+$0x12440]  }
0x245: {  	v0 =	vld [tilespmem:s1+$0x12450]  }
0x246: {  	[tilespmem:s13+$0xC000] =	vst.add.f32.msk $0xffff, v4  }
0x247: {  	[tilespmem:s14+$0xC000] =	vst.add.f32.msk $0xffff, v5  }
0x248: {  	[tilespmem:s16+$0xC000] =	vst.add.f32.msk $0xffff, v6  }
0x249: {  	[tilespmem:s17+$0x0] =	vst.add.f32.msk $0xffff, v7  }
0x24a: {  	[tilespmem:s18+$0x0] =	vst.add.f32.msk $0xffff, v8  }
0x24b: {  	[tilespmem:s19+$0x0] =	vst.add.f32.msk $0xffff, v9  }
.Ltmp7:
0x24c: {  	[tilespmem:s20+$0x0] =	vst.add.f32.msk $0xffff, v10;
	(pc) =	sbr.rel @p0 .LBB2_16-.Ltmp7, $4  }
0x24d: {  	[tilespmem:s21+$0x0] =	vst.add.f32.msk $0xffff, v11  }
0x24e: {  	[tilespmem:s25+$0x0] =	vst.add.f32.msk $0xffff, v12  }
0x24f: {  	[tilespmem:s29+$0x0] =	vst.add.f32.msk $0xffff, v13  }
0x250: {  	s9 =	sadd.s32 $0x1, s9;
	[tilespmem:s30+$0x0] =	vst.add.f32.msk $0xffff, v14  }
0x251: {  	[tilespmem:s12+$0x0] =	vst.add.f32.msk $0xffff, v3  }
0x252: {  	[tilespmem:s0+$0x0] =	vst.add.f32.msk $0xffff, v2  }
0x253: {  	[tilespmem:s11+$0x0] =	vst.add.f32.msk $0xffff, v1  }
0x254: {  	[tilespmem:s31+$0x0] =	vst.add.f32.msk $0xffff, v0  }
0x255: {  	s1 =	simm.s32 $0xE000;
	s0 =	rddreg [dreg:$0x14]  }
0x256: {  	[hbm4b:s0+s2] =	stream.linear.scatter [tilespmem:s1], [sflag:$0xD], $0x2000, $0x38;
	[tilespmem:$0x14000] =	vst v63  }
0x257: {  	_ =	swait.ge [sflag:s22], $0x4000  }
0x258: {  	[sflag:s22] =	ssyncset.done $0x0  }
0x259: {  	[sflag:s22] =	ssyncadd.s32 $0xFFFFC000  }
0x25a: {  	_ =	swait.ge [sflag:s23], $0x4000  }
0x25b: {  	[sflag:s23] =	ssyncset.done $0x0  }
0x25c: {  	[sflag:s23] =	ssyncadd.s32 $0xFFFFC000  }
0x25d: {  	_ =	swait.ge [sflag:s24], $0x4000  }
0x25e: {  	[sflag:s24] =	ssyncset.done $0x0  }
0x25f: {  	[sflag:s24] =	ssyncadd.s32 $0xFFFFC000  }
0x260: {  	_ =	swait.ge [sflag:s7], $0x4000  }
0x261: {  	s8 =	sadd.s32 $0x1, s8;
	s31 =	rddreg [dreg:$0x15]  }
0x262: {  	p0 =	sne.s32 s8, s31  }
.Ltmp8:
0x263: {  	_ = 	snop;
	(pc) =	sbr.rel @p0 .LBB2_1-.Ltmp8, $3  }
0x264: {  	_ =	sdelay $0x1  }
0x265: {  	[sflag:s7] =	ssyncset.done $0x0  }
0x266: {  	[sflag:s7] =	ssyncadd.s32 $0xFFFFC000  }
0x267: {  	_ =	sfence.sel $0x180000  }
0x268: {  	[bflag:$0x0] =	sbarrier.arrive $0xFFFF  }
0x269: {  	_ =	strace $0x90000047  }
0x26a: {  	s0 =	stileid.u32;
	[bflag:$0x2] =	sbarrier.arrive $0xFFFF  }
0x26b: {  	p0 =	sne.s32 s0, $0x0;
	s0 =	rddreg [dreg:$0x3]  }
0x26c: {  	s0 =	sadd.s32 @!p0 $0x100000, s0  }
0x26d: {  	[sflag:s0] =	ssyncadd.tile.s32 @!p0 $0x1;
	_ =	shalt  }
.Lfunc_end2:
_tile_overlayer_lowered:
.L_overlay_start_2:
0x26e: {  	(tag) =	ssettag $0x2  }
0x26f: {  	s0 =	rddreg [dreg:$0x0];
	s2 =	stileid.u32  }
0x270: {  	s1 =	rddreg [dreg:$0x1];
	p0 =	sne.s32 s2, $0x0  }
0x271: {  	s3 =	rddreg [dreg:$0x2];
	[bflag:$0x3] =	sbarrier.arrive $0xFFFF;
	s2 =	simm.s32 @!p0 $0x1C0E  }
0x272: {  	[timem:s3], [sflag:s2] =	dma.local @!p0 [hbm:s0], s1  }
0x273: {  	s0 =	simm.s32 @!p0 $0xE  }
0x274: {  	_ =	swait.ge @!p0 [sflag:s0], s1  }
0x275: {  	s1 =	ssub.s32 @!p0 $0x0, s1;
	[sflag:s0] =	ssyncset.done @!p0 $0x0  }
0x276: {  	[sflag:s0] =	ssyncadd.s32 @!p0 s1  }
0x277: {  	[bflag:$0x3] =	sbarrier.arrive $0xFFFF  }
0x278: {  	_ =	shalt  }

</sc_bundles>
